<compile_context>
chip_gen: v7x
topology: tpu7x:2x2x1
jax: 0.10.2.dev20260603
libtpu: 0.0.44.dev20260713+nightly
codegen_flags: <defaults>
</compile_context>

<pallas_src>
import functools

import jax
jax.config.update('jax_enable_x64', True)
import jax.numpy as jnp
import numpy as np
from jax import lax
from jax.experimental import pallas as pl
from jax.experimental.pallas import tpu as pltpu
from jax.experimental.pallas import tpu_sc as plsc


def _prime_check(n):
    if n < 2:
        return False
    if n % 2 == 0:
        return n == 2
    i = 3
    while i * i <= n:
        if n % i == 0:
            return False
        i += 2
    return True


def _head_primes():
    seen = set()
    primes = []
    for _ in range(2):
        s = 200000 - 1
        for _ in range(8):
            c = s + 1
            while not (_prime_check(c) and c not in seen):
                c += 1
            seen.add(c)
            primes.append(c)
            s = c
    return primes


_PRIMES = _head_primes()
_INVS = [float(np.nextafter(np.float32(1.0) / np.float32(p), np.float32(0.0)))
         for p in _PRIMES]

_B, _S = 4, 8192
_NW = 32
_CHUNK = (_B * _S) // _NW
_STEPS = _CHUNK // 16
_ROW_CHUNKS = _S // _CHUNK


@functools.cache
def _build_hash_kernel():
    return pl.kernel(
        _hash_body,
        out_type=jax.ShapeDtypeStruct((_B, 16, _S), jnp.int32),
        mesh=plsc.VectorSubcoreMesh(core_axis_name="c", subcore_axis_name="s"),
        scratch_types=[
            pltpu.VMEM((_CHUNK + 16,), jnp.int32),
            pltpu.VMEM((16, _CHUNK), jnp.int32),
        ],
        compiler_params=pltpu.CompilerParams(needs_layout_passes=False),
    )


def _hash_body(x_hbm, out_hbm, xbuf, obuf):
    wid = lax.axis_index("s") * 2 + lax.axis_index("c")
    base = wid * _CHUNK
    row = wid // _ROW_CHUNKS
    col = wid & (_ROW_CHUNKS - 1)
    xbuf[pl.ds(0, 16)] = jnp.zeros((16,), jnp.int32)
    pltpu.sync_copy(x_hbm.at[pl.ds(base, _CHUNK)], xbuf.at[pl.ds(16, _CHUNK)])

    @pl.when(col > 0)
    def _():
        pltpu.sync_copy(x_hbm.at[pl.ds(base - 8, 8)], xbuf.at[pl.ds(8, 8)])

    def step(i, carry):
        off = 16 + i * 16
        x0 = xbuf[pl.ds(off, 16)]
        x1 = xbuf[pl.ds(off - 1, 16)]
        x2 = xbuf[pl.ds(off - 2, 16)]
        m1 = (x0 * 3) ^ (x1 * 5)
        m2 = m1 ^ (x2 * 7)
        f1 = m1.astype(jnp.float32)
        f2 = m2.astype(jnp.float32)
        for h in range(16):
            m = m1 if h < 8 else m2
            f = f1 if h < 8 else f2
            p = jnp.int32(_PRIMES[h])
            q = (f * jnp.float32(_INVS[h])).astype(jnp.int32)
            r = m - q * p
            r = jnp.where(r >= p, r - p, r)
            obuf[h, pl.ds(i * 16, 16)] = r
        return carry

    lax.fori_loop(jnp.int32(0), jnp.int32(_STEPS), step, jnp.int32(0))
    pltpu.sync_copy(obuf, out_hbm.at[row, :, pl.ds(col * _CHUNK, _CHUNK)])


def kernel(input_ids):
    B, S = input_ids.shape
    assert (B, S) == (_B, _S)
    x32 = input_ids.astype(jnp.int32).reshape(-1)
    out = _build_hash_kernel()(x32)
    return out.astype(input_ids.dtype).transpose(0, 2, 1)

# --- scband reference (transcript-rebuilt; emitter-appended) ---
"""Pipeline reference for scband-ngram-hash-mapping-3831110828258 (READ-ONLY COPY).

The authoritative reference and input builder live on the scoring server;
editing this copy changes nothing except your own understanding.
"""

import jax
jax.config.update('jax_enable_x64', True)
import jax.numpy as jnp
import numpy as np

LAYER_IDS = [1]
MAX_NGRAM = 3
N_HEAD = 8
VOCAB_PER_NGRAM = [200000, 200000]
PAD_ID = 0
MULT_POOL = [2, 3, 5, 7, 11, 13, 17, 19]


def _isprime(n):
    if n < 2:
        return False
    if n % 2 == 0:
        return n == 2
    i = 3
    while i * i <= n:
        if n % i == 0:
            return False
        i += 2
    return True


def _next_prime(start, seen):
    c = start + 1
    while True:
        if _isprime(c) and c not in seen:
            return c
        c += 1


def build_prime_moduli():
    # mirrors build_prime_moduli: moduli[layer_id][ngram_idx][head_idx],
    # unique primes slightly above the nominal vocab size per n-gram
    seen = set()
    moduli = {}
    for lid in LAYER_IDS:
        per_layer = []
        for ngram in range(2, MAX_NGRAM + 1):
            base = VOCAB_PER_NGRAM[ngram - 2]
            heads = []
            s = base - 1
            for _ in range(N_HEAD):
                p = _next_prime(s, seen)
                seen.add(p)
                heads.append(p)
                s = p
            per_layer.append(heads)
        moduli[lid] = per_layer
    return moduli


MODULI = build_prime_moduli()


def setup_inputs(seed: int = 0) -> dict:
    key = jax.random.key(seed)
    input_ids = jax.random.randint(key, (4, 8192), 0, 128000, dtype=jnp.int64)
    return {"input_ids": input_ids}


def reference(input_ids):
    # input_ids: (B, S) int64 token ids
    # Produces hash_ids per layer: (B, S, (MAX_NGRAM-1)*N_HEAD)
    B, S = input_ids.shape
    outs = []
    for lid in LAYER_IDS:
        # layer-specific odd multipliers drawn from the small-prime pool
        mults = [MULT_POOL[(lid + k) % len(MULT_POOL)] for k in range(MAX_NGRAM)]
        # shift_k padding with pad_id (right-shift token stream by k)
        shifted = []
        for k in range(MAX_NGRAM):
            if k == 0:
                shifted.append(input_ids)
            else:
                pad = jnp.full((B, k), PAD_ID, dtype=input_ids.dtype)
                shifted.append(jnp.concatenate([pad, input_ids[:, :-k]], axis=1))
        # XOR mixing, cumulative over the n-gram window
        mixed = shifted[0] * mults[0]
        head_outputs = []
        for ngram in range(2, MAX_NGRAM + 1):
            mixed = jnp.bitwise_xor(mixed, shifted[ngram - 1] * mults[ngram - 1])
            for h in range(N_HEAD):
                p = MODULI[lid][ngram - 2][h]
                head_outputs.append(jnp.mod(mixed, p))
        out = jnp.stack(head_outputs, axis=-1)  # (B, S, 16)
        outs.append(out)
    return outs[0] if len(outs) == 1 else tuple(outs)

if __name__ == "__main__":
    import jax
    _d = setup_inputs()
    print(jax.jit(kernel)(*tuple(_d.values())))

</pallas_src>

<mosaic_0001>
#map = affine_map<(d0, d1) -> (0)>
#map1 = affine_map<(d0, d1) -> (0, 0, 0)>
module attributes {stable_mosaic.version = 14 : i64} {
  func.func @_hash_body(%arg0: i32, %arg1: i32, %arg2: memref<32768xi32, #tpu.memory_space<hbm>>, %arg3: memref<4x16x8192xi32, #tpu.memory_space<hbm>>, %arg4: memref<1040xi32, #tpu.memory_space<vmem>>, %arg5: memref<16x1024xi32, #tpu.memory_space<vmem>>) attributes {dimension_semantics = [#tpu.dimension_semantics<core_parallel>, #tpu.dimension_semantics<subcore_parallel>], iteration_bounds = array<i64: 2, 16>, scalar_prefetch = 0 : i64, scratch_operands = 2 : i64, tpu.core_type = #tpu.core_type<sc_vector_subcore>, window_params = [{transform_indices = #map}, {transform_indices = #map1}]} {
    %mul3A = arith.constant 2 : i32
    %mul3A_0 = arith.muli %arg1, %mul3A : i32
    %add3A = arith.addi %mul3A_0, %arg0 : i32
    %mul3A_1 = arith.constant 1024 : i32
    %mul3A_2 = arith.muli %add3A, %mul3A_1 : i32
    %jit3A = arith.constant 8 : i64
    %convert_element_type3A = arith.trunci %jit3A : i64 to i32
    %div3A = arith.divsi %add3A, %convert_element_type3A : i32
    %sign3A = arith.constant 0 : i32
    %sign3A_3 = arith.cmpi sgt, %add3A, %sign3A : i32
    %sign3A_4 = arith.extui %sign3A_3 : i1 to i32
    %sign3A_5 = arith.constant 0 : i32
    %sign3A_6 = arith.cmpi slt, %add3A, %sign3A_5 : i32
    %sign3A_7 = arith.extui %sign3A_6 : i1 to i32
    %sign3A_8 = arith.subi %sign3A_4, %sign3A_7 : i32
    %sign3A_9 = arith.constant 0 : i32
    %sign3A_10 = arith.cmpi sgt, %convert_element_type3A, %sign3A_9 : i32
    %sign3A_11 = arith.extui %sign3A_10 : i1 to i32
    %sign3A_12 = arith.constant 0 : i32
    %sign3A_13 = arith.cmpi slt, %convert_element_type3A, %sign3A_12 : i32
    %sign3A_14 = arith.extui %sign3A_13 : i1 to i32
    %sign3A_15 = arith.subi %sign3A_11, %sign3A_14 : i32
    %ne3A = arith.cmpi ne, %sign3A_8, %sign3A_15 : i32
    %rem3A = arith.remsi %add3A, %convert_element_type3A : i32
    %ne3A_16 = arith.constant 0 : i32
    %ne3A_17 = arith.cmpi ne, %rem3A, %ne3A_16 : i32
    %and3A = arith.andi %ne3A, %ne3A_17 : i1
    %sub3A = arith.constant 1 : i32
    %sub3A_18 = arith.subi %div3A, %sub3A : i32
    %select_n3A = arith.select %and3A, %sub3A_18, %div3A : i32
    %and3A_19 = arith.constant 7 : i32
    %and3A_20 = arith.andi %add3A, %and3A_19 : i32
    %broadcast_in_dim3A = arith.constant 0 : i32
    %broadcast_in_dim3A_21 = vector.broadcast %broadcast_in_dim3A : i32 to vector<16xi32>
    %swap3A = arith.constant 0 : index
    %swap3A_22 = tpu.vector_load %arg4[%swap3A] {strides = array<i32>} : memref<1040xi32, #tpu.memory_space<vmem>>, vector<16xi32>,
    tpu.vector_store %arg4[%swap3A], %broadcast_in_dim3A_21 {strides = array<i32>} : memref<1040xi32, #tpu.memory_space<vmem>>, vector<16xi32>,
    "tpu.region"() ({
      %run_scoped3A = tpu.sem_alloc : memref<!tpu.dma_semaphore, #tpu.memory_space<semaphore_mem>>
      %dma_start3A = arith.constant 16 : i32
      %dma_start3A_38 = tpu.memref_slice %arg4[%dma_start3A] : memref<1040xi32, #tpu.memory_space<vmem>> -> memref<1024xi32, #tpu.memory_space<vmem>>
      %dma_start3A_39 = tpu.memref_slice %arg2[%mul3A_2] : memref<32768xi32, #tpu.memory_space<hbm>> -> memref<1024xi32, #tpu.memory_space<hbm>>
      %dma_start3A_40 = arith.constant 16 : i32
      %dma_start3A_41 = tpu.memref_slice %arg4[%dma_start3A_40] : memref<1040xi32, #tpu.memory_space<vmem>> -> memref<1024xi32, #tpu.memory_space<vmem>>
      %dma_start3A_42 = tpu.memref_slice %arg2[%mul3A_2] : memref<32768xi32, #tpu.memory_space<hbm>> -> memref<1024xi32, #tpu.memory_space<hbm>>
      tpu.enqueue_dma source(%dma_start3A_42 : memref<1024xi32, #tpu.memory_space<hbm>>) target(%dma_start3A_41 : memref<1024xi32, #tpu.memory_space<vmem>>) target_semaphore(%run_scoped3A : memref<!tpu.dma_semaphore, #tpu.memory_space<semaphore_mem>>)
      %dma_wait3A = arith.constant 16 : i32
      %dma_wait3A_43 = tpu.memref_slice %arg4[%dma_wait3A] : memref<1040xi32, #tpu.memory_space<vmem>> -> memref<1024xi32, #tpu.memory_space<vmem>>
      %dma_wait3A_44 = tpu.memref_slice %arg2[%mul3A_2] : memref<32768xi32, #tpu.memory_space<hbm>> -> memref<1024xi32, #tpu.memory_space<hbm>>
      %dma_wait3A_45 = arith.constant 16 : i32
      %dma_wait3A_46 = tpu.memref_slice %arg4[%dma_wait3A_45] : memref<1040xi32, #tpu.memory_space<vmem>> -> memref<1024xi32, #tpu.memory_space<vmem>>
      %dma_wait3A_47 = tpu.memref_slice %arg2[%mul3A_2] : memref<32768xi32, #tpu.memory_space<hbm>> -> memref<1024xi32, #tpu.memory_space<hbm>>
      tpu.wait_dma2 semaphore(%run_scoped3A : memref<!tpu.dma_semaphore, #tpu.memory_space<semaphore_mem>>) src(%dma_wait3A_47 : memref<1024xi32, #tpu.memory_space<hbm>>) dst(%dma_wait3A_46 : memref<1024xi32, #tpu.memory_space<vmem>>)
      tpu.yield
    }) : () -> ()
    %gt3A = arith.constant 0 : i32
    %gt3A_23 = arith.cmpi sgt, %and3A_20, %gt3A : i32
    %convert_element_type3A_24 = arith.extui %gt3A_23 : i1 to i32
    %cond3A = arith.constant 0 : i32
    %cond3A_25 = arith.cmpi ne, %convert_element_type3A_24, %cond3A : i32
    scf.if %cond3A_25 {
      %sub3A_38 = arith.constant 8 : i32
      %sub3A_39 = arith.subi %mul3A_2, %sub3A_38 : i32
      "tpu.region"() ({
        %run_scoped3A = tpu.sem_alloc : memref<!tpu.dma_semaphore, #tpu.memory_space<semaphore_mem>>
        %dma_start3A = arith.constant 8 : i32
        %dma_start3A_40 = tpu.memref_slice %arg4[%dma_start3A] : memref<1040xi32, #tpu.memory_space<vmem>> -> memref<8xi32, #tpu.memory_space<vmem>>
        %dma_start3A_41 = tpu.memref_slice %arg2[%sub3A_39] : memref<32768xi32, #tpu.memory_space<hbm>> -> memref<8xi32, #tpu.memory_space<hbm>>
        %dma_start3A_42 = arith.constant 8 : i32
        %dma_start3A_43 = tpu.memref_slice %arg4[%dma_start3A_42] : memref<1040xi32, #tpu.memory_space<vmem>> -> memref<8xi32, #tpu.memory_space<vmem>>
        %dma_start3A_44 = tpu.memref_slice %arg2[%sub3A_39] : memref<32768xi32, #tpu.memory_space<hbm>> -> memref<8xi32, #tpu.memory_space<hbm>>
        tpu.enqueue_dma source(%dma_start3A_44 : memref<8xi32, #tpu.memory_space<hbm>>) target(%dma_start3A_43 : memref<8xi32, #tpu.memory_space<vmem>>) target_semaphore(%run_scoped3A : memref<!tpu.dma_semaphore, #tpu.memory_space<semaphore_mem>>)
        %dma_wait3A = arith.constant 8 : i32
        %dma_wait3A_45 = tpu.memref_slice %arg4[%dma_wait3A] : memref<1040xi32, #tpu.memory_space<vmem>> -> memref<8xi32, #tpu.memory_space<vmem>>
        %dma_wait3A_46 = tpu.memref_slice %arg2[%sub3A_39] : memref<32768xi32, #tpu.memory_space<hbm>> -> memref<8xi32, #tpu.memory_space<hbm>>
        %dma_wait3A_47 = arith.constant 8 : i32
        %dma_wait3A_48 = tpu.memref_slice %arg4[%dma_wait3A_47] : memref<1040xi32, #tpu.memory_space<vmem>> -> memref<8xi32, #tpu.memory_space<vmem>>
        %dma_wait3A_49 = tpu.memref_slice %arg2[%sub3A_39] : memref<32768xi32, #tpu.memory_space<hbm>> -> memref<8xi32, #tpu.memory_space<hbm>>
        tpu.wait_dma2 semaphore(%run_scoped3A : memref<!tpu.dma_semaphore, #tpu.memory_space<semaphore_mem>>) src(%dma_wait3A_49 : memref<8xi32, #tpu.memory_space<hbm>>) dst(%dma_wait3A_48 : memref<8xi32, #tpu.memory_space<vmem>>)
        tpu.yield
      }) : () -> ()
    } else {
    }
    %while3A = arith.constant 0 : i32
    %while3A_26 = arith.constant 0 : i32
    %while3A_27 = arith.constant 64 : i32
    %while3A_28 = arith.subi %while3A_27, %while3A_26 : i32
    %while3A_29 = arith.addi %while3A_26, %while3A_28 : i32
    %while3A_30 = arith.constant 1 : i32
    %while3A_31 = arith.divsi %while3A_28, %while3A_30 : i32
    %while3A_32 = arith.muli %while3A_31, %while3A_30 : i32
    %while3A_33 = arith.addi %while3A_26, %while3A_32 : i32
    %while3A_34 = arith.constant 1 : i32
    scf.for %while3A_38 = %while3A_26 to %while3A_33 step %while3A_34  : i32 {
      %mul3A_39 = arith.constant 16 : i32
      %mul3A_40 = arith.muli %while3A_38, %mul3A_39 : i32
      %add3A_41 = arith.constant 16 : i32
      %add3A_42 = arith.addi %add3A_41, %mul3A_40 : i32
      %get3A = arith.index_cast %add3A_42 : i32 to index
      %get3A_43 = tpu.vector_load %arg4[%get3A] {strides = array<i32>} : memref<1040xi32, #tpu.memory_space<vmem>>, vector<16xi32>,
      %sub3A_44 = arith.constant 1 : i32
      %sub3A_45 = arith.subi %add3A_42, %sub3A_44 : i32
      %get3A_46 = arith.index_cast %sub3A_45 : i32 to index
      %get3A_47 = tpu.vector_load %arg4[%get3A_46] {strides = array<i32>} : memref<1040xi32, #tpu.memory_space<vmem>>, vector<16xi32>,
      %sub3A_48 = arith.constant 2 : i32
      %sub3A_49 = arith.subi %add3A_42, %sub3A_48 : i32
      %get3A_50 = arith.index_cast %sub3A_49 : i32 to index
      %get3A_51 = tpu.vector_load %arg4[%get3A_50] {strides = array<i32>} : memref<1040xi32, #tpu.memory_space<vmem>>, vector<16xi32>,
      %mul3A_52 = arith.constant 3 : i32
      %mul3A_53 = vector.broadcast %mul3A_52 : i32 to vector<16xi32>
      %mul3A_54 = arith.muli %get3A_43, %mul3A_53 : vector<16xi32>
      %mul3A_55 = arith.constant 5 : i32
      %mul3A_56 = vector.broadcast %mul3A_55 : i32 to vector<16xi32>
      %mul3A_57 = arith.muli %get3A_47, %mul3A_56 : vector<16xi32>
      %xor3A = arith.xori %mul3A_54, %mul3A_57 : vector<16xi32>
      %mul3A_58 = arith.constant 7 : i32
      %mul3A_59 = vector.broadcast %mul3A_58 : i32 to vector<16xi32>
      %mul3A_60 = arith.muli %get3A_51, %mul3A_59 : vector<16xi32>
      %xor3A_61 = arith.xori %xor3A, %mul3A_60 : vector<16xi32>
      %convert_element_type3A_62 = arith.sitofp %xor3A : vector<16xi32> to vector<16xf32>
      %convert_element_type3A_63 = arith.sitofp %xor3A_61 : vector<16xi32> to vector<16xf32>
      %mul3A_64 = arith.constant 4.99992439E-6 : f32
      %mul3A_65 = vector.broadcast %mul3A_64 : f32 to vector<16xf32>
      %mul3A_66 = arith.mulf %convert_element_type3A_62, %mul3A_65 : vector<16xf32>
      %convert_element_type3A_67 = arith.fptosi %mul3A_66 : vector<16xf32> to vector<16xi32>
      %mul3A_68 = arith.constant 200003 : i32
      %mul3A_69 = vector.broadcast %mul3A_68 : i32 to vector<16xi32>
      %mul3A_70 = arith.muli %convert_element_type3A_67, %mul3A_69 : vector<16xi32>
      %sub3A_71 = arith.subi %xor3A, %mul3A_70 : vector<16xi32>
      %ge3A = arith.constant 200003 : i32
      %ge3A_72 = vector.broadcast %ge3A : i32 to vector<16xi32>
      %ge3A_73 = arith.cmpi sge, %sub3A_71, %ge3A_72 : vector<16xi32>
      %sub3A_74 = arith.constant 200003 : i32
      %sub3A_75 = vector.broadcast %sub3A_74 : i32 to vector<16xi32>
      %sub3A_76 = arith.subi %sub3A_71, %sub3A_75 : vector<16xi32>
      %select_n3A_77 = arith.select %ge3A_73, %sub3A_76, %sub3A_71 : vector<16xi1>, vector<16xi32>
      %mul3A_78 = arith.constant 16 : i32
      %mul3A_79 = arith.muli %while3A_38, %mul3A_78 : i32
      %swap3A_80 = arith.constant 0 : i64
      %swap3A_81 = arith.index_cast %swap3A_80 : i64 to index
      %swap3A_82 = arith.index_cast %mul3A_79 : i32 to index
      %swap3A_83 = tpu.vector_load %arg5[%swap3A_81, %swap3A_82] {strides = array<i32>} : memref<16x1024xi32, #tpu.memory_space<vmem>>, vector<16xi32>,
      tpu.vector_store %arg5[%swap3A_81, %swap3A_82], %select_n3A_77 {strides = array<i32>} : memref<16x1024xi32, #tpu.memory_space<vmem>>, vector<16xi32>,
      %mul3A_84 = arith.constant 4.99977477E-6 : f32
      %mul3A_85 = vector.broadcast %mul3A_84 : f32 to vector<16xf32>
      %mul3A_86 = arith.mulf %convert_element_type3A_62, %mul3A_85 : vector<16xf32>
      %convert_element_type3A_87 = arith.fptosi %mul3A_86 : vector<16xf32> to vector<16xi32>
      %mul3A_88 = arith.constant 200009 : i32
      %mul3A_89 = vector.broadcast %mul3A_88 : i32 to vector<16xi32>
      %mul3A_90 = arith.muli %convert_element_type3A_87, %mul3A_89 : vector<16xi32>
      %sub3A_91 = arith.subi %xor3A, %mul3A_90 : vector<16xi32>
      %ge3A_92 = arith.constant 200009 : i32
      %ge3A_93 = vector.broadcast %ge3A_92 : i32 to vector<16xi32>
      %ge3A_94 = arith.cmpi sge, %sub3A_91, %ge3A_93 : vector<16xi32>
      %sub3A_95 = arith.constant 200009 : i32
      %sub3A_96 = vector.broadcast %sub3A_95 : i32 to vector<16xi32>
      %sub3A_97 = arith.subi %sub3A_91, %sub3A_96 : vector<16xi32>
      %select_n3A_98 = arith.select %ge3A_94, %sub3A_97, %sub3A_91 : vector<16xi1>, vector<16xi32>
      %mul3A_99 = arith.constant 16 : i32
      %mul3A_100 = arith.muli %while3A_38, %mul3A_99 : i32
      %swap3A_101 = arith.constant 1 : i64
      %swap3A_102 = arith.index_cast %swap3A_101 : i64 to index
      %swap3A_103 = arith.index_cast %mul3A_100 : i32 to index
      %swap3A_104 = tpu.vector_load %arg5[%swap3A_102, %swap3A_103] {strides = array<i32>} : memref<16x1024xi32, #tpu.memory_space<vmem>>, vector<16xi32>,
      tpu.vector_store %arg5[%swap3A_102, %swap3A_103], %select_n3A_98 {strides = array<i32>} : memref<16x1024xi32, #tpu.memory_space<vmem>>, vector<16xi32>,
      %mul3A_105 = arith.constant 4.99957468E-6 : f32
      %mul3A_106 = vector.broadcast %mul3A_105 : f32 to vector<16xf32>
      %mul3A_107 = arith.mulf %convert_element_type3A_62, %mul3A_106 : vector<16xf32>
      %convert_element_type3A_108 = arith.fptosi %mul3A_107 : vector<16xf32> to vector<16xi32>
      %mul3A_109 = arith.constant 200017 : i32
      %mul3A_110 = vector.broadcast %mul3A_109 : i32 to vector<16xi32>
      %mul3A_111 = arith.muli %convert_element_type3A_108, %mul3A_110 : vector<16xi32>
      %sub3A_112 = arith.subi %xor3A, %mul3A_111 : vector<16xi32>
      %ge3A_113 = arith.constant 200017 : i32
      %ge3A_114 = vector.broadcast %ge3A_113 : i32 to vector<16xi32>
      %ge3A_115 = arith.cmpi sge, %sub3A_112, %ge3A_114 : vector<16xi32>
      %sub3A_116 = arith.constant 200017 : i32
      %sub3A_117 = vector.broadcast %sub3A_116 : i32 to vector<16xi32>
      %sub3A_118 = arith.subi %sub3A_112, %sub3A_117 : vector<16xi32>
      %select_n3A_119 = arith.select %ge3A_115, %sub3A_118, %sub3A_112 : vector<16xi1>, vector<16xi32>
      %mul3A_120 = arith.constant 16 : i32
      %mul3A_121 = arith.muli %while3A_38, %mul3A_120 : i32
      %swap3A_122 = arith.constant 2 : i64
      %swap3A_123 = arith.index_cast %swap3A_122 : i64 to index
      %swap3A_124 = arith.index_cast %mul3A_121 : i32 to index
      %swap3A_125 = tpu.vector_load %arg5[%swap3A_123, %swap3A_124] {strides = array<i32>} : memref<16x1024xi32, #tpu.memory_space<vmem>>, vector<16xi32>,
      tpu.vector_store %arg5[%swap3A_123, %swap3A_124], %select_n3A_119 {strides = array<i32>} : memref<16x1024xi32, #tpu.memory_space<vmem>>, vector<16xi32>,
      %mul3A_126 = arith.constant 4.99942462E-6 : f32
      %mul3A_127 = vector.broadcast %mul3A_126 : f32 to vector<16xf32>
      %mul3A_128 = arith.mulf %convert_element_type3A_62, %mul3A_127 : vector<16xf32>
      %convert_element_type3A_129 = arith.fptosi %mul3A_128 : vector<16xf32> to vector<16xi32>
      %mul3A_130 = arith.constant 200023 : i32
      %mul3A_131 = vector.broadcast %mul3A_130 : i32 to vector<16xi32>
      %mul3A_132 = arith.muli %convert_element_type3A_129, %mul3A_131 : vector<16xi32>
      %sub3A_133 = arith.subi %xor3A, %mul3A_132 : vector<16xi32>
      %ge3A_134 = arith.constant 200023 : i32
      %ge3A_135 = vector.broadcast %ge3A_134 : i32 to vector<16xi32>
      %ge3A_136 = arith.cmpi sge, %sub3A_133, %ge3A_135 : vector<16xi32>
      %sub3A_137 = arith.constant 200023 : i32
      %sub3A_138 = vector.broadcast %sub3A_137 : i32 to vector<16xi32>
      %sub3A_139 = arith.subi %sub3A_133, %sub3A_138 : vector<16xi32>
      %select_n3A_140 = arith.select %ge3A_136, %sub3A_139, %sub3A_133 : vector<16xi1>, vector<16xi32>
      %mul3A_141 = arith.constant 16 : i32
      %mul3A_142 = arith.muli %while3A_38, %mul3A_141 : i32
      %swap3A_143 = arith.constant 3 : i64
      %swap3A_144 = arith.index_cast %swap3A_143 : i64 to index
      %swap3A_145 = arith.index_cast %mul3A_142 : i32 to index
      %swap3A_146 = tpu.vector_load %arg5[%swap3A_144, %swap3A_145] {strides = array<i32>} : memref<16x1024xi32, #tpu.memory_space<vmem>>, vector<16xi32>,
      tpu.vector_store %arg5[%swap3A_144, %swap3A_145], %select_n3A_140 {strides = array<i32>} : memref<16x1024xi32, #tpu.memory_space<vmem>>, vector<16xi32>,
      %mul3A_147 = arith.constant 4.99927455E-6 : f32
      %mul3A_148 = vector.broadcast %mul3A_147 : f32 to vector<16xf32>
      %mul3A_149 = arith.mulf %convert_element_type3A_62, %mul3A_148 : vector<16xf32>
      %convert_element_type3A_150 = arith.fptosi %mul3A_149 : vector<16xf32> to vector<16xi32>
      %mul3A_151 = arith.constant 200029 : i32
      %mul3A_152 = vector.broadcast %mul3A_151 : i32 to vector<16xi32>
      %mul3A_153 = arith.muli %convert_element_type3A_150, %mul3A_152 : vector<16xi32>
      %sub3A_154 = arith.subi %xor3A, %mul3A_153 : vector<16xi32>
      %ge3A_155 = arith.constant 200029 : i32
      %ge3A_156 = vector.broadcast %ge3A_155 : i32 to vector<16xi32>
      %ge3A_157 = arith.cmpi sge, %sub3A_154, %ge3A_156 : vector<16xi32>
      %sub3A_158 = arith.constant 200029 : i32
      %sub3A_159 = vector.broadcast %sub3A_158 : i32 to vector<16xi32>
      %sub3A_160 = arith.subi %sub3A_154, %sub3A_159 : vector<16xi32>
      %select_n3A_161 = arith.select %ge3A_157, %sub3A_160, %sub3A_154 : vector<16xi1>, vector<16xi32>
      %mul3A_162 = arith.constant 16 : i32
      %mul3A_163 = arith.muli %while3A_38, %mul3A_162 : i32
      %swap3A_164 = arith.constant 4 : i64
      %swap3A_165 = arith.index_cast %swap3A_164 : i64 to index
      %swap3A_166 = arith.index_cast %mul3A_163 : i32 to index
      %swap3A_167 = tpu.vector_load %arg5[%swap3A_165, %swap3A_166] {strides = array<i32>} : memref<16x1024xi32, #tpu.memory_space<vmem>>, vector<16xi32>,
      tpu.vector_store %arg5[%swap3A_165, %swap3A_166], %select_n3A_161 {strides = array<i32>} : memref<16x1024xi32, #tpu.memory_space<vmem>>, vector<16xi32>,
      %mul3A_168 = arith.constant 4.99917451E-6 : f32
      %mul3A_169 = vector.broadcast %mul3A_168 : f32 to vector<16xf32>
      %mul3A_170 = arith.mulf %convert_element_type3A_62, %mul3A_169 : vector<16xf32>
      %convert_element_type3A_171 = arith.fptosi %mul3A_170 : vector<16xf32> to vector<16xi32>
      %mul3A_172 = arith.constant 200033 : i32
      %mul3A_173 = vector.broadcast %mul3A_172 : i32 to vector<16xi32>
      %mul3A_174 = arith.muli %convert_element_type3A_171, %mul3A_173 : vector<16xi32>
      %sub3A_175 = arith.subi %xor3A, %mul3A_174 : vector<16xi32>
      %ge3A_176 = arith.constant 200033 : i32
      %ge3A_177 = vector.broadcast %ge3A_176 : i32 to vector<16xi32>
      %ge3A_178 = arith.cmpi sge, %sub3A_175, %ge3A_177 : vector<16xi32>
      %sub3A_179 = arith.constant 200033 : i32
      %sub3A_180 = vector.broadcast %sub3A_179 : i32 to vector<16xi32>
      %sub3A_181 = arith.subi %sub3A_175, %sub3A_180 : vector<16xi32>
      %select_n3A_182 = arith.select %ge3A_178, %sub3A_181, %sub3A_175 : vector<16xi1>, vector<16xi32>
      %mul3A_183 = arith.constant 16 : i32
      %mul3A_184 = arith.muli %while3A_38, %mul3A_183 : i32
      %swap3A_185 = arith.constant 5 : i64
      %swap3A_186 = arith.index_cast %swap3A_185 : i64 to index
      %swap3A_187 = arith.index_cast %mul3A_184 : i32 to index
      %swap3A_188 = tpu.vector_load %arg5[%swap3A_186, %swap3A_187] {strides = array<i32>} : memref<16x1024xi32, #tpu.memory_space<vmem>>, vector<16xi32>,
      tpu.vector_store %arg5[%swap3A_186, %swap3A_187], %select_n3A_182 {strides = array<i32>} : memref<16x1024xi32, #tpu.memory_space<vmem>>, vector<16xi32>,
      %mul3A_189 = arith.constant 4.99897487E-6 : f32
      %mul3A_190 = vector.broadcast %mul3A_189 : f32 to vector<16xf32>
      %mul3A_191 = arith.mulf %convert_element_type3A_62, %mul3A_190 : vector<16xf32>
      %convert_element_type3A_192 = arith.fptosi %mul3A_191 : vector<16xf32> to vector<16xi32>
      %mul3A_193 = arith.constant 200041 : i32
      %mul3A_194 = vector.broadcast %mul3A_193 : i32 to vector<16xi32>
      %mul3A_195 = arith.muli %convert_element_type3A_192, %mul3A_194 : vector<16xi32>
      %sub3A_196 = arith.subi %xor3A, %mul3A_195 : vector<16xi32>
      %ge3A_197 = arith.constant 200041 : i32
      %ge3A_198 = vector.broadcast %ge3A_197 : i32 to vector<16xi32>
      %ge3A_199 = arith.cmpi sge, %sub3A_196, %ge3A_198 : vector<16xi32>
      %sub3A_200 = arith.constant 200041 : i32
      %sub3A_201 = vector.broadcast %sub3A_200 : i32 to vector<16xi32>
      %sub3A_202 = arith.subi %sub3A_196, %sub3A_201 : vector<16xi32>
      %select_n3A_203 = arith.select %ge3A_199, %sub3A_202, %sub3A_196 : vector<16xi1>, vector<16xi32>
      %mul3A_204 = arith.constant 16 : i32
      %mul3A_205 = arith.muli %while3A_38, %mul3A_204 : i32
      %swap3A_206 = arith.constant 6 : i64
      %swap3A_207 = arith.index_cast %swap3A_206 : i64 to index
      %swap3A_208 = arith.index_cast %mul3A_205 : i32 to index
      %swap3A_209 = tpu.vector_load %arg5[%swap3A_207, %swap3A_208] {strides = array<i32>} : memref<16x1024xi32, #tpu.memory_space<vmem>>, vector<16xi32>,
      tpu.vector_store %arg5[%swap3A_207, %swap3A_208], %select_n3A_203 {strides = array<i32>} : memref<16x1024xi32, #tpu.memory_space<vmem>>, vector<16xi32>,
      %mul3A_210 = arith.constant 4.99842508E-6 : f32
      %mul3A_211 = vector.broadcast %mul3A_210 : f32 to vector<16xf32>
      %mul3A_212 = arith.mulf %convert_element_type3A_62, %mul3A_211 : vector<16xf32>
      %convert_element_type3A_213 = arith.fptosi %mul3A_212 : vector<16xf32> to vector<16xi32>
      %mul3A_214 = arith.constant 200063 : i32
      %mul3A_215 = vector.broadcast %mul3A_214 : i32 to vector<16xi32>
      %mul3A_216 = arith.muli %convert_element_type3A_213, %mul3A_215 : vector<16xi32>
      %sub3A_217 = arith.subi %xor3A, %mul3A_216 : vector<16xi32>
      %ge3A_218 = arith.constant 200063 : i32
      %ge3A_219 = vector.broadcast %ge3A_218 : i32 to vector<16xi32>
      %ge3A_220 = arith.cmpi sge, %sub3A_217, %ge3A_219 : vector<16xi32>
      %sub3A_221 = arith.constant 200063 : i32
      %sub3A_222 = vector.broadcast %sub3A_221 : i32 to vector<16xi32>
      %sub3A_223 = arith.subi %sub3A_217, %sub3A_222 : vector<16xi32>
      %select_n3A_224 = arith.select %ge3A_220, %sub3A_223, %sub3A_217 : vector<16xi1>, vector<16xi32>
      %mul3A_225 = arith.constant 16 : i32
      %mul3A_226 = arith.muli %while3A_38, %mul3A_225 : i32
      %swap3A_227 = arith.constant 7 : i64
      %swap3A_228 = arith.index_cast %swap3A_227 : i64 to index
      %swap3A_229 = arith.index_cast %mul3A_226 : i32 to index
      %swap3A_230 = tpu.vector_load %arg5[%swap3A_228, %swap3A_229] {strides = array<i32>} : memref<16x1024xi32, #tpu.memory_space<vmem>>, vector<16xi32>,
      tpu.vector_store %arg5[%swap3A_228, %swap3A_229], %select_n3A_224 {strides = array<i32>} : memref<16x1024xi32, #tpu.memory_space<vmem>>, vector<16xi32>,
      %mul3A_231 = arith.constant 4.99782527E-6 : f32
      %mul3A_232 = vector.broadcast %mul3A_231 : f32 to vector<16xf32>
      %mul3A_233 = arith.mulf %convert_element_type3A_63, %mul3A_232 : vector<16xf32>
      %convert_element_type3A_234 = arith.fptosi %mul3A_233 : vector<16xf32> to vector<16xi32>
      %mul3A_235 = arith.constant 200087 : i32
      %mul3A_236 = vector.broadcast %mul3A_235 : i32 to vector<16xi32>
      %mul3A_237 = arith.muli %convert_element_type3A_234, %mul3A_236 : vector<16xi32>
      %sub3A_238 = arith.subi %xor3A_61, %mul3A_237 : vector<16xi32>
      %ge3A_239 = arith.constant 200087 : i32
      %ge3A_240 = vector.broadcast %ge3A_239 : i32 to vector<16xi32>
      %ge3A_241 = arith.cmpi sge, %sub3A_238, %ge3A_240 : vector<16xi32>
      %sub3A_242 = arith.constant 200087 : i32
      %sub3A_243 = vector.broadcast %sub3A_242 : i32 to vector<16xi32>
      %sub3A_244 = arith.subi %sub3A_238, %sub3A_243 : vector<16xi32>
      %select_n3A_245 = arith.select %ge3A_241, %sub3A_244, %sub3A_238 : vector<16xi1>, vector<16xi32>
      %mul3A_246 = arith.constant 16 : i32
      %mul3A_247 = arith.muli %while3A_38, %mul3A_246 : i32
      %swap3A_248 = arith.constant 8 : i64
      %swap3A_249 = arith.index_cast %swap3A_248 : i64 to index
      %swap3A_250 = arith.index_cast %mul3A_247 : i32 to index
      %swap3A_251 = tpu.vector_load %arg5[%swap3A_249, %swap3A_250] {strides = array<i32>} : memref<16x1024xi32, #tpu.memory_space<vmem>>, vector<16xi32>,
      tpu.vector_store %arg5[%swap3A_249, %swap3A_250], %select_n3A_245 {strides = array<i32>} : memref<16x1024xi32, #tpu.memory_space<vmem>>, vector<16xi32>,
      %mul3A_252 = arith.constant 4.9970763E-6 : f32
      %mul3A_253 = vector.broadcast %mul3A_252 : f32 to vector<16xf32>
      %mul3A_254 = arith.mulf %convert_element_type3A_63, %mul3A_253 : vector<16xf32>
      %convert_element_type3A_255 = arith.fptosi %mul3A_254 : vector<16xf32> to vector<16xi32>
      %mul3A_256 = arith.constant 200117 : i32
      %mul3A_257 = vector.broadcast %mul3A_256 : i32 to vector<16xi32>
      %mul3A_258 = arith.muli %convert_element_type3A_255, %mul3A_257 : vector<16xi32>
      %sub3A_259 = arith.subi %xor3A_61, %mul3A_258 : vector<16xi32>
      %ge3A_260 = arith.constant 200117 : i32
      %ge3A_261 = vector.broadcast %ge3A_260 : i32 to vector<16xi32>
      %ge3A_262 = arith.cmpi sge, %sub3A_259, %ge3A_261 : vector<16xi32>
      %sub3A_263 = arith.constant 200117 : i32
      %sub3A_264 = vector.broadcast %sub3A_263 : i32 to vector<16xi32>
      %sub3A_265 = arith.subi %sub3A_259, %sub3A_264 : vector<16xi32>
      %select_n3A_266 = arith.select %ge3A_262, %sub3A_265, %sub3A_259 : vector<16xi1>, vector<16xi32>
      %mul3A_267 = arith.constant 16 : i32
      %mul3A_268 = arith.muli %while3A_38, %mul3A_267 : i32
      %swap3A_269 = arith.constant 9 : i64
      %swap3A_270 = arith.index_cast %swap3A_269 : i64 to index
      %swap3A_271 = arith.index_cast %mul3A_268 : i32 to index
      %swap3A_272 = tpu.vector_load %arg5[%swap3A_270, %swap3A_271] {strides = array<i32>} : memref<16x1024xi32, #tpu.memory_space<vmem>>, vector<16xi32>,
      tpu.vector_store %arg5[%swap3A_270, %swap3A_271], %select_n3A_266 {strides = array<i32>} : memref<16x1024xi32, #tpu.memory_space<vmem>>, vector<16xi32>,
      %mul3A_273 = arith.constant 4.9967266E-6 : f32
      %mul3A_274 = vector.broadcast %mul3A_273 : f32 to vector<16xf32>
      %mul3A_275 = arith.mulf %convert_element_type3A_63, %mul3A_274 : vector<16xf32>
      %convert_element_type3A_276 = arith.fptosi %mul3A_275 : vector<16xf32> to vector<16xi32>
      %mul3A_277 = arith.constant 200131 : i32
      %mul3A_278 = vector.broadcast %mul3A_277 : i32 to vector<16xi32>
      %mul3A_279 = arith.muli %convert_element_type3A_276, %mul3A_278 : vector<16xi32>
      %sub3A_280 = arith.subi %xor3A_61, %mul3A_279 : vector<16xi32>
      %ge3A_281 = arith.constant 200131 : i32
      %ge3A_282 = vector.broadcast %ge3A_281 : i32 to vector<16xi32>
      %ge3A_283 = arith.cmpi sge, %sub3A_280, %ge3A_282 : vector<16xi32>
      %sub3A_284 = arith.constant 200131 : i32
      %sub3A_285 = vector.broadcast %sub3A_284 : i32 to vector<16xi32>
      %sub3A_286 = arith.subi %sub3A_280, %sub3A_285 : vector<16xi32>
      %select_n3A_287 = arith.select %ge3A_283, %sub3A_286, %sub3A_280 : vector<16xi1>, vector<16xi32>
      %mul3A_288 = arith.constant 16 : i32
      %mul3A_289 = arith.muli %while3A_38, %mul3A_288 : i32
      %swap3A_290 = arith.constant 10 : i64
      %swap3A_291 = arith.index_cast %swap3A_290 : i64 to index
      %swap3A_292 = arith.index_cast %mul3A_289 : i32 to index
      %swap3A_293 = tpu.vector_load %arg5[%swap3A_291, %swap3A_292] {strides = array<i32>} : memref<16x1024xi32, #tpu.memory_space<vmem>>, vector<16xi32>,
      tpu.vector_store %arg5[%swap3A_291, %swap3A_292], %select_n3A_287 {strides = array<i32>} : memref<16x1024xi32, #tpu.memory_space<vmem>>, vector<16xi32>,
      %mul3A_294 = arith.constant 4.99617727E-6 : f32
      %mul3A_295 = vector.broadcast %mul3A_294 : f32 to vector<16xf32>
      %mul3A_296 = arith.mulf %convert_element_type3A_63, %mul3A_295 : vector<16xf32>
      %convert_element_type3A_297 = arith.fptosi %mul3A_296 : vector<16xf32> to vector<16xi32>
      %mul3A_298 = arith.constant 200153 : i32
      %mul3A_299 = vector.broadcast %mul3A_298 : i32 to vector<16xi32>
      %mul3A_300 = arith.muli %convert_element_type3A_297, %mul3A_299 : vector<16xi32>
      %sub3A_301 = arith.subi %xor3A_61, %mul3A_300 : vector<16xi32>
      %ge3A_302 = arith.constant 200153 : i32
      %ge3A_303 = vector.broadcast %ge3A_302 : i32 to vector<16xi32>
      %ge3A_304 = arith.cmpi sge, %sub3A_301, %ge3A_303 : vector<16xi32>
      %sub3A_305 = arith.constant 200153 : i32
      %sub3A_306 = vector.broadcast %sub3A_305 : i32 to vector<16xi32>
      %sub3A_307 = arith.subi %sub3A_301, %sub3A_306 : vector<16xi32>
      %select_n3A_308 = arith.select %ge3A_304, %sub3A_307, %sub3A_301 : vector<16xi1>, vector<16xi32>
      %mul3A_309 = arith.constant 16 : i32
      %mul3A_310 = arith.muli %while3A_38, %mul3A_309 : i32
      %swap3A_311 = arith.constant 11 : i64
      %swap3A_312 = arith.index_cast %swap3A_311 : i64 to index
      %swap3A_313 = arith.index_cast %mul3A_310 : i32 to index
      %swap3A_314 = tpu.vector_load %arg5[%swap3A_312, %swap3A_313] {strides = array<i32>} : memref<16x1024xi32, #tpu.memory_space<vmem>>, vector<16xi32>,
      tpu.vector_store %arg5[%swap3A_312, %swap3A_313], %select_n3A_308 {strides = array<i32>} : memref<16x1024xi32, #tpu.memory_space<vmem>>, vector<16xi32>,
      %mul3A_315 = arith.constant 4.99602766E-6 : f32
      %mul3A_316 = vector.broadcast %mul3A_315 : f32 to vector<16xf32>
      %mul3A_317 = arith.mulf %convert_element_type3A_63, %mul3A_316 : vector<16xf32>
      %convert_element_type3A_318 = arith.fptosi %mul3A_317 : vector<16xf32> to vector<16xi32>
      %mul3A_319 = arith.constant 200159 : i32
      %mul3A_320 = vector.broadcast %mul3A_319 : i32 to vector<16xi32>
      %mul3A_321 = arith.muli %convert_element_type3A_318, %mul3A_320 : vector<16xi32>
      %sub3A_322 = arith.subi %xor3A_61, %mul3A_321 : vector<16xi32>
      %ge3A_323 = arith.constant 200159 : i32
      %ge3A_324 = vector.broadcast %ge3A_323 : i32 to vector<16xi32>
      %ge3A_325 = arith.cmpi sge, %sub3A_322, %ge3A_324 : vector<16xi32>
      %sub3A_326 = arith.constant 200159 : i32
      %sub3A_327 = vector.broadcast %sub3A_326 : i32 to vector<16xi32>
      %sub3A_328 = arith.subi %sub3A_322, %sub3A_327 : vector<16xi32>
      %select_n3A_329 = arith.select %ge3A_325, %sub3A_328, %sub3A_322 : vector<16xi1>, vector<16xi32>
      %mul3A_330 = arith.constant 16 : i32
      %mul3A_331 = arith.muli %while3A_38, %mul3A_330 : i32
      %swap3A_332 = arith.constant 12 : i64
      %swap3A_333 = arith.index_cast %swap3A_332 : i64 to index
      %swap3A_334 = arith.index_cast %mul3A_331 : i32 to index
      %swap3A_335 = tpu.vector_load %arg5[%swap3A_333, %swap3A_334] {strides = array<i32>} : memref<16x1024xi32, #tpu.memory_space<vmem>>, vector<16xi32>,
      tpu.vector_store %arg5[%swap3A_333, %swap3A_334], %select_n3A_329 {strides = array<i32>} : memref<16x1024xi32, #tpu.memory_space<vmem>>, vector<16xi32>,
      %mul3A_336 = arith.constant 4.99572798E-6 : f32
      %mul3A_337 = vector.broadcast %mul3A_336 : f32 to vector<16xf32>
      %mul3A_338 = arith.mulf %convert_element_type3A_63, %mul3A_337 : vector<16xf32>
      %convert_element_type3A_339 = arith.fptosi %mul3A_338 : vector<16xf32> to vector<16xi32>
      %mul3A_340 = arith.constant 200171 : i32
      %mul3A_341 = vector.broadcast %mul3A_340 : i32 to vector<16xi32>
      %mul3A_342 = arith.muli %convert_element_type3A_339, %mul3A_341 : vector<16xi32>
      %sub3A_343 = arith.subi %xor3A_61, %mul3A_342 : vector<16xi32>
      %ge3A_344 = arith.constant 200171 : i32
      %ge3A_345 = vector.broadcast %ge3A_344 : i32 to vector<16xi32>
      %ge3A_346 = arith.cmpi sge, %sub3A_343, %ge3A_345 : vector<16xi32>
      %sub3A_347 = arith.constant 200171 : i32
      %sub3A_348 = vector.broadcast %sub3A_347 : i32 to vector<16xi32>
      %sub3A_349 = arith.subi %sub3A_343, %sub3A_348 : vector<16xi32>
      %select_n3A_350 = arith.select %ge3A_346, %sub3A_349, %sub3A_343 : vector<16xi1>, vector<16xi32>
      %mul3A_351 = arith.constant 16 : i32
      %mul3A_352 = arith.muli %while3A_38, %mul3A_351 : i32
      %swap3A_353 = arith.constant 13 : i64
      %swap3A_354 = arith.index_cast %swap3A_353 : i64 to index
      %swap3A_355 = arith.index_cast %mul3A_352 : i32 to index
      %swap3A_356 = tpu.vector_load %arg5[%swap3A_354, %swap3A_355] {strides = array<i32>} : memref<16x1024xi32, #tpu.memory_space<vmem>>, vector<16xi32>,
      tpu.vector_store %arg5[%swap3A_354, %swap3A_355], %select_n3A_350 {strides = array<i32>} : memref<16x1024xi32, #tpu.memory_space<vmem>>, vector<16xi32>,
      %mul3A_357 = arith.constant 4.99557837E-6 : f32
      %mul3A_358 = vector.broadcast %mul3A_357 : f32 to vector<16xf32>
      %mul3A_359 = arith.mulf %convert_element_type3A_63, %mul3A_358 : vector<16xf32>
      %convert_element_type3A_360 = arith.fptosi %mul3A_359 : vector<16xf32> to vector<16xi32>
      %mul3A_361 = arith.constant 200177 : i32
      %mul3A_362 = vector.broadcast %mul3A_361 : i32 to vector<16xi32>
      %mul3A_363 = arith.muli %convert_element_type3A_360, %mul3A_362 : vector<16xi32>
      %sub3A_364 = arith.subi %xor3A_61, %mul3A_363 : vector<16xi32>
      %ge3A_365 = arith.constant 200177 : i32
      %ge3A_366 = vector.broadcast %ge3A_365 : i32 to vector<16xi32>
      %ge3A_367 = arith.cmpi sge, %sub3A_364, %ge3A_366 : vector<16xi32>
      %sub3A_368 = arith.constant 200177 : i32
      %sub3A_369 = vector.broadcast %sub3A_368 : i32 to vector<16xi32>
      %sub3A_370 = arith.subi %sub3A_364, %sub3A_369 : vector<16xi32>
      %select_n3A_371 = arith.select %ge3A_367, %sub3A_370, %sub3A_364 : vector<16xi1>, vector<16xi32>
      %mul3A_372 = arith.constant 16 : i32
      %mul3A_373 = arith.muli %while3A_38, %mul3A_372 : i32
      %swap3A_374 = arith.constant 14 : i64
      %swap3A_375 = arith.index_cast %swap3A_374 : i64 to index
      %swap3A_376 = arith.index_cast %mul3A_373 : i32 to index
      %swap3A_377 = tpu.vector_load %arg5[%swap3A_375, %swap3A_376] {strides = array<i32>} : memref<16x1024xi32, #tpu.memory_space<vmem>>, vector<16xi32>,
      tpu.vector_store %arg5[%swap3A_375, %swap3A_376], %select_n3A_371 {strides = array<i32>} : memref<16x1024xi32, #tpu.memory_space<vmem>>, vector<16xi32>,
      %mul3A_378 = arith.constant 4.99542875E-6 : f32
      %mul3A_379 = vector.broadcast %mul3A_378 : f32 to vector<16xf32>
      %mul3A_380 = arith.mulf %convert_element_type3A_63, %mul3A_379 : vector<16xf32>
      %convert_element_type3A_381 = arith.fptosi %mul3A_380 : vector<16xf32> to vector<16xi32>
      %mul3A_382 = arith.constant 200183 : i32
      %mul3A_383 = vector.broadcast %mul3A_382 : i32 to vector<16xi32>
      %mul3A_384 = arith.muli %convert_element_type3A_381, %mul3A_383 : vector<16xi32>
      %sub3A_385 = arith.subi %xor3A_61, %mul3A_384 : vector<16xi32>
      %ge3A_386 = arith.constant 200183 : i32
      %ge3A_387 = vector.broadcast %ge3A_386 : i32 to vector<16xi32>
      %ge3A_388 = arith.cmpi sge, %sub3A_385, %ge3A_387 : vector<16xi32>
      %sub3A_389 = arith.constant 200183 : i32
      %sub3A_390 = vector.broadcast %sub3A_389 : i32 to vector<16xi32>
      %sub3A_391 = arith.subi %sub3A_385, %sub3A_390 : vector<16xi32>
      %select_n3A_392 = arith.select %ge3A_388, %sub3A_391, %sub3A_385 : vector<16xi1>, vector<16xi32>
      %mul3A_393 = arith.constant 16 : i32
      %mul3A_394 = arith.muli %while3A_38, %mul3A_393 : i32
      %swap3A_395 = arith.constant 15 : i64
      %swap3A_396 = arith.index_cast %swap3A_395 : i64 to index
      %swap3A_397 = arith.index_cast %mul3A_394 : i32 to index
      %swap3A_398 = tpu.vector_load %arg5[%swap3A_396, %swap3A_397] {strides = array<i32>} : memref<16x1024xi32, #tpu.memory_space<vmem>>, vector<16xi32>,
      tpu.vector_store %arg5[%swap3A_396, %swap3A_397], %select_n3A_392 {strides = array<i32>} : memref<16x1024xi32, #tpu.memory_space<vmem>>, vector<16xi32>,
    }
    %while3A_35 = arith.constant 1 : i32
    scf.for %while3A_38 = %while3A_33 to %while3A_29 step %while3A_35  : i32 {
      %mul3A_39 = arith.constant 16 : i32
      %mul3A_40 = arith.muli %while3A_38, %mul3A_39 : i32
      %add3A_41 = arith.constant 16 : i32
      %add3A_42 = arith.addi %add3A_41, %mul3A_40 : i32
      %get3A = arith.index_cast %add3A_42 : i32 to index
      %get3A_43 = tpu.vector_load %arg4[%get3A] {strides = array<i32>} : memref<1040xi32, #tpu.memory_space<vmem>>, vector<16xi32>,
      %sub3A_44 = arith.constant 1 : i32
      %sub3A_45 = arith.subi %add3A_42, %sub3A_44 : i32
      %get3A_46 = arith.index_cast %sub3A_45 : i32 to index
      %get3A_47 = tpu.vector_load %arg4[%get3A_46] {strides = array<i32>} : memref<1040xi32, #tpu.memory_space<vmem>>, vector<16xi32>,
      %sub3A_48 = arith.constant 2 : i32
      %sub3A_49 = arith.subi %add3A_42, %sub3A_48 : i32
      %get3A_50 = arith.index_cast %sub3A_49 : i32 to index
      %get3A_51 = tpu.vector_load %arg4[%get3A_50] {strides = array<i32>} : memref<1040xi32, #tpu.memory_space<vmem>>, vector<16xi32>,
      %mul3A_52 = arith.constant 3 : i32
      %mul3A_53 = vector.broadcast %mul3A_52 : i32 to vector<16xi32>
      %mul3A_54 = arith.muli %get3A_43, %mul3A_53 : vector<16xi32>
      %mul3A_55 = arith.constant 5 : i32
      %mul3A_56 = vector.broadcast %mul3A_55 : i32 to vector<16xi32>
      %mul3A_57 = arith.muli %get3A_47, %mul3A_56 : vector<16xi32>
      %xor3A = arith.xori %mul3A_54, %mul3A_57 : vector<16xi32>
      %mul3A_58 = arith.constant 7 : i32
      %mul3A_59 = vector.broadcast %mul3A_58 : i32 to vector<16xi32>
      %mul3A_60 = arith.muli %get3A_51, %mul3A_59 : vector<16xi32>
      %xor3A_61 = arith.xori %xor3A, %mul3A_60 : vector<16xi32>
      %convert_element_type3A_62 = arith.sitofp %xor3A : vector<16xi32> to vector<16xf32>
      %convert_element_type3A_63 = arith.sitofp %xor3A_61 : vector<16xi32> to vector<16xf32>
      %mul3A_64 = arith.constant 4.99992439E-6 : f32
      %mul3A_65 = vector.broadcast %mul3A_64 : f32 to vector<16xf32>
      %mul3A_66 = arith.mulf %convert_element_type3A_62, %mul3A_65 : vector<16xf32>
      %convert_element_type3A_67 = arith.fptosi %mul3A_66 : vector<16xf32> to vector<16xi32>
      %mul3A_68 = arith.constant 200003 : i32
      %mul3A_69 = vector.broadcast %mul3A_68 : i32 to vector<16xi32>
      %mul3A_70 = arith.muli %convert_element_type3A_67, %mul3A_69 : vector<16xi32>
      %sub3A_71 = arith.subi %xor3A, %mul3A_70 : vector<16xi32>
      %ge3A = arith.constant 200003 : i32
      %ge3A_72 = vector.broadcast %ge3A : i32 to vector<16xi32>
      %ge3A_73 = arith.cmpi sge, %sub3A_71, %ge3A_72 : vector<16xi32>
      %sub3A_74 = arith.constant 200003 : i32
      %sub3A_75 = vector.broadcast %sub3A_74 : i32 to vector<16xi32>
      %sub3A_76 = arith.subi %sub3A_71, %sub3A_75 : vector<16xi32>
      %select_n3A_77 = arith.select %ge3A_73, %sub3A_76, %sub3A_71 : vector<16xi1>, vector<16xi32>
      %mul3A_78 = arith.constant 16 : i32
      %mul3A_79 = arith.muli %while3A_38, %mul3A_78 : i32
      %swap3A_80 = arith.constant 0 : i64
      %swap3A_81 = arith.index_cast %swap3A_80 : i64 to index
      %swap3A_82 = arith.index_cast %mul3A_79 : i32 to index
      %swap3A_83 = tpu.vector_load %arg5[%swap3A_81, %swap3A_82] {strides = array<i32>} : memref<16x1024xi32, #tpu.memory_space<vmem>>, vector<16xi32>,
      tpu.vector_store %arg5[%swap3A_81, %swap3A_82], %select_n3A_77 {strides = array<i32>} : memref<16x1024xi32, #tpu.memory_space<vmem>>, vector<16xi32>,
      %mul3A_84 = arith.constant 4.99977477E-6 : f32
      %mul3A_85 = vector.broadcast %mul3A_84 : f32 to vector<16xf32>
      %mul3A_86 = arith.mulf %convert_element_type3A_62, %mul3A_85 : vector<16xf32>
      %convert_element_type3A_87 = arith.fptosi %mul3A_86 : vector<16xf32> to vector<16xi32>
      %mul3A_88 = arith.constant 200009 : i32
      %mul3A_89 = vector.broadcast %mul3A_88 : i32 to vector<16xi32>
      %mul3A_90 = arith.muli %convert_element_type3A_87, %mul3A_89 : vector<16xi32>
      %sub3A_91 = arith.subi %xor3A, %mul3A_90 : vector<16xi32>
      %ge3A_92 = arith.constant 200009 : i32
      %ge3A_93 = vector.broadcast %ge3A_92 : i32 to vector<16xi32>
      %ge3A_94 = arith.cmpi sge, %sub3A_91, %ge3A_93 : vector<16xi32>
      %sub3A_95 = arith.constant 200009 : i32
      %sub3A_96 = vector.broadcast %sub3A_95 : i32 to vector<16xi32>
      %sub3A_97 = arith.subi %sub3A_91, %sub3A_96 : vector<16xi32>
      %select_n3A_98 = arith.select %ge3A_94, %sub3A_97, %sub3A_91 : vector<16xi1>, vector<16xi32>
      %mul3A_99 = arith.constant 16 : i32
      %mul3A_100 = arith.muli %while3A_38, %mul3A_99 : i32
      %swap3A_101 = arith.constant 1 : i64
      %swap3A_102 = arith.index_cast %swap3A_101 : i64 to index
      %swap3A_103 = arith.index_cast %mul3A_100 : i32 to index
      %swap3A_104 = tpu.vector_load %arg5[%swap3A_102, %swap3A_103] {strides = array<i32>} : memref<16x1024xi32, #tpu.memory_space<vmem>>, vector<16xi32>,
      tpu.vector_store %arg5[%swap3A_102, %swap3A_103], %select_n3A_98 {strides = array<i32>} : memref<16x1024xi32, #tpu.memory_space<vmem>>, vector<16xi32>,
      %mul3A_105 = arith.constant 4.99957468E-6 : f32
      %mul3A_106 = vector.broadcast %mul3A_105 : f32 to vector<16xf32>
      %mul3A_107 = arith.mulf %convert_element_type3A_62, %mul3A_106 : vector<16xf32>
      %convert_element_type3A_108 = arith.fptosi %mul3A_107 : vector<16xf32> to vector<16xi32>
      %mul3A_109 = arith.constant 200017 : i32
      %mul3A_110 = vector.broadcast %mul3A_109 : i32 to vector<16xi32>
      %mul3A_111 = arith.muli %convert_element_type3A_108, %mul3A_110 : vector<16xi32>
      %sub3A_112 = arith.subi %xor3A, %mul3A_111 : vector<16xi32>
      %ge3A_113 = arith.constant 200017 : i32
      %ge3A_114 = vector.broadcast %ge3A_113 : i32 to vector<16xi32>
      %ge3A_115 = arith.cmpi sge, %sub3A_112, %ge3A_114 : vector<16xi32>
      %sub3A_116 = arith.constant 200017 : i32
      %sub3A_117 = vector.broadcast %sub3A_116 : i32 to vector<16xi32>
      %sub3A_118 = arith.subi %sub3A_112, %sub3A_117 : vector<16xi32>
      %select_n3A_119 = arith.select %ge3A_115, %sub3A_118, %sub3A_112 : vector<16xi1>, vector<16xi32>
      %mul3A_120 = arith.constant 16 : i32
      %mul3A_121 = arith.muli %while3A_38, %mul3A_120 : i32
      %swap3A_122 = arith.constant 2 : i64
      %swap3A_123 = arith.index_cast %swap3A_122 : i64 to index
      %swap3A_124 = arith.index_cast %mul3A_121 : i32 to index
      %swap3A_125 = tpu.vector_load %arg5[%swap3A_123, %swap3A_124] {strides = array<i32>} : memref<16x1024xi32, #tpu.memory_space<vmem>>, vector<16xi32>,
      tpu.vector_store %arg5[%swap3A_123, %swap3A_124], %select_n3A_119 {strides = array<i32>} : memref<16x1024xi32, #tpu.memory_space<vmem>>, vector<16xi32>,
      %mul3A_126 = arith.constant 4.99942462E-6 : f32
      %mul3A_127 = vector.broadcast %mul3A_126 : f32 to vector<16xf32>
      %mul3A_128 = arith.mulf %convert_element_type3A_62, %mul3A_127 : vector<16xf32>
      %convert_element_type3A_129 = arith.fptosi %mul3A_128 : vector<16xf32> to vector<16xi32>
      %mul3A_130 = arith.constant 200023 : i32
      %mul3A_131 = vector.broadcast %mul3A_130 : i32 to vector<16xi32>
      %mul3A_132 = arith.muli %convert_element_type3A_129, %mul3A_131 : vector<16xi32>
      %sub3A_133 = arith.subi %xor3A, %mul3A_132 : vector<16xi32>
      %ge3A_134 = arith.constant 200023 : i32
      %ge3A_135 = vector.broadcast %ge3A_134 : i32 to vector<16xi32>
      %ge3A_136 = arith.cmpi sge, %sub3A_133, %ge3A_135 : vector<16xi32>
      %sub3A_137 = arith.constant 200023 : i32
      %sub3A_138 = vector.broadcast %sub3A_137 : i32 to vector<16xi32>
      %sub3A_139 = arith.subi %sub3A_133, %sub3A_138 : vector<16xi32>
      %select_n3A_140 = arith.select %ge3A_136, %sub3A_139, %sub3A_133 : vector<16xi1>, vector<16xi32>
      %mul3A_141 = arith.constant 16 : i32
      %mul3A_142 = arith.muli %while3A_38, %mul3A_141 : i32
      %swap3A_143 = arith.constant 3 : i64
      %swap3A_144 = arith.index_cast %swap3A_143 : i64 to index
      %swap3A_145 = arith.index_cast %mul3A_142 : i32 to index
      %swap3A_146 = tpu.vector_load %arg5[%swap3A_144, %swap3A_145] {strides = array<i32>} : memref<16x1024xi32, #tpu.memory_space<vmem>>, vector<16xi32>,
      tpu.vector_store %arg5[%swap3A_144, %swap3A_145], %select_n3A_140 {strides = array<i32>} : memref<16x1024xi32, #tpu.memory_space<vmem>>, vector<16xi32>,
      %mul3A_147 = arith.constant 4.99927455E-6 : f32
      %mul3A_148 = vector.broadcast %mul3A_147 : f32 to vector<16xf32>
      %mul3A_149 = arith.mulf %convert_element_type3A_62, %mul3A_148 : vector<16xf32>
      %convert_element_type3A_150 = arith.fptosi %mul3A_149 : vector<16xf32> to vector<16xi32>
      %mul3A_151 = arith.constant 200029 : i32
      %mul3A_152 = vector.broadcast %mul3A_151 : i32 to vector<16xi32>
      %mul3A_153 = arith.muli %convert_element_type3A_150, %mul3A_152 : vector<16xi32>
      %sub3A_154 = arith.subi %xor3A, %mul3A_153 : vector<16xi32>
      %ge3A_155 = arith.constant 200029 : i32
      %ge3A_156 = vector.broadcast %ge3A_155 : i32 to vector<16xi32>
      %ge3A_157 = arith.cmpi sge, %sub3A_154, %ge3A_156 : vector<16xi32>
      %sub3A_158 = arith.constant 200029 : i32
      %sub3A_159 = vector.broadcast %sub3A_158 : i32 to vector<16xi32>
      %sub3A_160 = arith.subi %sub3A_154, %sub3A_159 : vector<16xi32>
      %select_n3A_161 = arith.select %ge3A_157, %sub3A_160, %sub3A_154 : vector<16xi1>, vector<16xi32>
      %mul3A_162 = arith.constant 16 : i32
      %mul3A_163 = arith.muli %while3A_38, %mul3A_162 : i32
      %swap3A_164 = arith.constant 4 : i64
      %swap3A_165 = arith.index_cast %swap3A_164 : i64 to index
      %swap3A_166 = arith.index_cast %mul3A_163 : i32 to index
      %swap3A_167 = tpu.vector_load %arg5[%swap3A_165, %swap3A_166] {strides = array<i32>} : memref<16x1024xi32, #tpu.memory_space<vmem>>, vector<16xi32>,
      tpu.vector_store %arg5[%swap3A_165, %swap3A_166], %select_n3A_161 {strides = array<i32>} : memref<16x1024xi32, #tpu.memory_space<vmem>>, vector<16xi32>,
      %mul3A_168 = arith.constant 4.99917451E-6 : f32
      %mul3A_169 = vector.broadcast %mul3A_168 : f32 to vector<16xf32>
      %mul3A_170 = arith.mulf %convert_element_type3A_62, %mul3A_169 : vector<16xf32>
      %convert_element_type3A_171 = arith.fptosi %mul3A_170 : vector<16xf32> to vector<16xi32>
      %mul3A_172 = arith.constant 200033 : i32
      %mul3A_173 = vector.broadcast %mul3A_172 : i32 to vector<16xi32>
      %mul3A_174 = arith.muli %convert_element_type3A_171, %mul3A_173 : vector<16xi32>
      %sub3A_175 = arith.subi %xor3A, %mul3A_174 : vector<16xi32>
      %ge3A_176 = arith.constant 200033 : i32
      %ge3A_177 = vector.broadcast %ge3A_176 : i32 to vector<16xi32>
      %ge3A_178 = arith.cmpi sge, %sub3A_175, %ge3A_177 : vector<16xi32>
      %sub3A_179 = arith.constant 200033 : i32
      %sub3A_180 = vector.broadcast %sub3A_179 : i32 to vector<16xi32>
      %sub3A_181 = arith.subi %sub3A_175, %sub3A_180 : vector<16xi32>
      %select_n3A_182 = arith.select %ge3A_178, %sub3A_181, %sub3A_175 : vector<16xi1>, vector<16xi32>
      %mul3A_183 = arith.constant 16 : i32
      %mul3A_184 = arith.muli %while3A_38, %mul3A_183 : i32
      %swap3A_185 = arith.constant 5 : i64
      %swap3A_186 = arith.index_cast %swap3A_185 : i64 to index
      %swap3A_187 = arith.index_cast %mul3A_184 : i32 to index
      %swap3A_188 = tpu.vector_load %arg5[%swap3A_186, %swap3A_187] {strides = array<i32>} : memref<16x1024xi32, #tpu.memory_space<vmem>>, vector<16xi32>,
      tpu.vector_store %arg5[%swap3A_186, %swap3A_187], %select_n3A_182 {strides = array<i32>} : memref<16x1024xi32, #tpu.memory_space<vmem>>, vector<16xi32>,
      %mul3A_189 = arith.constant 4.99897487E-6 : f32
      %mul3A_190 = vector.broadcast %mul3A_189 : f32 to vector<16xf32>
      %mul3A_191 = arith.mulf %convert_element_type3A_62, %mul3A_190 : vector<16xf32>
      %convert_element_type3A_192 = arith.fptosi %mul3A_191 : vector<16xf32> to vector<16xi32>
      %mul3A_193 = arith.constant 200041 : i32
      %mul3A_194 = vector.broadcast %mul3A_193 : i32 to vector<16xi32>
      %mul3A_195 = arith.muli %convert_element_type3A_192, %mul3A_194 : vector<16xi32>
      %sub3A_196 = arith.subi %xor3A, %mul3A_195 : vector<16xi32>
      %ge3A_197 = arith.constant 200041 : i32
      %ge3A_198 = vector.broadcast %ge3A_197 : i32 to vector<16xi32>
      %ge3A_199 = arith.cmpi sge, %sub3A_196, %ge3A_198 : vector<16xi32>
      %sub3A_200 = arith.constant 200041 : i32
      %sub3A_201 = vector.broadcast %sub3A_200 : i32 to vector<16xi32>
      %sub3A_202 = arith.subi %sub3A_196, %sub3A_201 : vector<16xi32>
      %select_n3A_203 = arith.select %ge3A_199, %sub3A_202, %sub3A_196 : vector<16xi1>, vector<16xi32>
      %mul3A_204 = arith.constant 16 : i32
      %mul3A_205 = arith.muli %while3A_38, %mul3A_204 : i32
      %swap3A_206 = arith.constant 6 : i64
      %swap3A_207 = arith.index_cast %swap3A_206 : i64 to index
      %swap3A_208 = arith.index_cast %mul3A_205 : i32 to index
      %swap3A_209 = tpu.vector_load %arg5[%swap3A_207, %swap3A_208] {strides = array<i32>} : memref<16x1024xi32, #tpu.memory_space<vmem>>, vector<16xi32>,
      tpu.vector_store %arg5[%swap3A_207, %swap3A_208], %select_n3A_203 {strides = array<i32>} : memref<16x1024xi32, #tpu.memory_space<vmem>>, vector<16xi32>,
      %mul3A_210 = arith.constant 4.99842508E-6 : f32
      %mul3A_211 = vector.broadcast %mul3A_210 : f32 to vector<16xf32>
      %mul3A_212 = arith.mulf %convert_element_type3A_62, %mul3A_211 : vector<16xf32>
      %convert_element_type3A_213 = arith.fptosi %mul3A_212 : vector<16xf32> to vector<16xi32>
      %mul3A_214 = arith.constant 200063 : i32
      %mul3A_215 = vector.broadcast %mul3A_214 : i32 to vector<16xi32>
      %mul3A_216 = arith.muli %convert_element_type3A_213, %mul3A_215 : vector<16xi32>
      %sub3A_217 = arith.subi %xor3A, %mul3A_216 : vector<16xi32>
      %ge3A_218 = arith.constant 200063 : i32
      %ge3A_219 = vector.broadcast %ge3A_218 : i32 to vector<16xi32>
      %ge3A_220 = arith.cmpi sge, %sub3A_217, %ge3A_219 : vector<16xi32>
      %sub3A_221 = arith.constant 200063 : i32
      %sub3A_222 = vector.broadcast %sub3A_221 : i32 to vector<16xi32>
      %sub3A_223 = arith.subi %sub3A_217, %sub3A_222 : vector<16xi32>
      %select_n3A_224 = arith.select %ge3A_220, %sub3A_223, %sub3A_217 : vector<16xi1>, vector<16xi32>
      %mul3A_225 = arith.constant 16 : i32
      %mul3A_226 = arith.muli %while3A_38, %mul3A_225 : i32
      %swap3A_227 = arith.constant 7 : i64
      %swap3A_228 = arith.index_cast %swap3A_227 : i64 to index
      %swap3A_229 = arith.index_cast %mul3A_226 : i32 to index
      %swap3A_230 = tpu.vector_load %arg5[%swap3A_228, %swap3A_229] {strides = array<i32>} : memref<16x1024xi32, #tpu.memory_space<vmem>>, vector<16xi32>,
      tpu.vector_store %arg5[%swap3A_228, %swap3A_229], %select_n3A_224 {strides = array<i32>} : memref<16x1024xi32, #tpu.memory_space<vmem>>, vector<16xi32>,
      %mul3A_231 = arith.constant 4.99782527E-6 : f32
      %mul3A_232 = vector.broadcast %mul3A_231 : f32 to vector<16xf32>
      %mul3A_233 = arith.mulf %convert_element_type3A_63, %mul3A_232 : vector<16xf32>
      %convert_element_type3A_234 = arith.fptosi %mul3A_233 : vector<16xf32> to vector<16xi32>
      %mul3A_235 = arith.constant 200087 : i32
      %mul3A_236 = vector.broadcast %mul3A_235 : i32 to vector<16xi32>
      %mul3A_237 = arith.muli %convert_element_type3A_234, %mul3A_236 : vector<16xi32>
      %sub3A_238 = arith.subi %xor3A_61, %mul3A_237 : vector<16xi32>
      %ge3A_239 = arith.constant 200087 : i32
      %ge3A_240 = vector.broadcast %ge3A_239 : i32 to vector<16xi32>
      %ge3A_241 = arith.cmpi sge, %sub3A_238, %ge3A_240 : vector<16xi32>
      %sub3A_242 = arith.constant 200087 : i32
      %sub3A_243 = vector.broadcast %sub3A_242 : i32 to vector<16xi32>
      %sub3A_244 = arith.subi %sub3A_238, %sub3A_243 : vector<16xi32>
      %select_n3A_245 = arith.select %ge3A_241, %sub3A_244, %sub3A_238 : vector<16xi1>, vector<16xi32>
      %mul3A_246 = arith.constant 16 : i32
      %mul3A_247 = arith.muli %while3A_38, %mul3A_246 : i32
      %swap3A_248 = arith.constant 8 : i64
      %swap3A_249 = arith.index_cast %swap3A_248 : i64 to index
      %swap3A_250 = arith.index_cast %mul3A_247 : i32 to index
      %swap3A_251 = tpu.vector_load %arg5[%swap3A_249, %swap3A_250] {strides = array<i32>} : memref<16x1024xi32, #tpu.memory_space<vmem>>, vector<16xi32>,
      tpu.vector_store %arg5[%swap3A_249, %swap3A_250], %select_n3A_245 {strides = array<i32>} : memref<16x1024xi32, #tpu.memory_space<vmem>>, vector<16xi32>,
      %mul3A_252 = arith.constant 4.9970763E-6 : f32
      %mul3A_253 = vector.broadcast %mul3A_252 : f32 to vector<16xf32>
      %mul3A_254 = arith.mulf %convert_element_type3A_63, %mul3A_253 : vector<16xf32>
      %convert_element_type3A_255 = arith.fptosi %mul3A_254 : vector<16xf32> to vector<16xi32>
      %mul3A_256 = arith.constant 200117 : i32
      %mul3A_257 = vector.broadcast %mul3A_256 : i32 to vector<16xi32>
      %mul3A_258 = arith.muli %convert_element_type3A_255, %mul3A_257 : vector<16xi32>
      %sub3A_259 = arith.subi %xor3A_61, %mul3A_258 : vector<16xi32>
      %ge3A_260 = arith.constant 200117 : i32
      %ge3A_261 = vector.broadcast %ge3A_260 : i32 to vector<16xi32>
      %ge3A_262 = arith.cmpi sge, %sub3A_259, %ge3A_261 : vector<16xi32>
      %sub3A_263 = arith.constant 200117 : i32
      %sub3A_264 = vector.broadcast %sub3A_263 : i32 to vector<16xi32>
      %sub3A_265 = arith.subi %sub3A_259, %sub3A_264 : vector<16xi32>
      %select_n3A_266 = arith.select %ge3A_262, %sub3A_265, %sub3A_259 : vector<16xi1>, vector<16xi32>
      %mul3A_267 = arith.constant 16 : i32
      %mul3A_268 = arith.muli %while3A_38, %mul3A_267 : i32
      %swap3A_269 = arith.constant 9 : i64
      %swap3A_270 = arith.index_cast %swap3A_269 : i64 to index
      %swap3A_271 = arith.index_cast %mul3A_268 : i32 to index
      %swap3A_272 = tpu.vector_load %arg5[%swap3A_270, %swap3A_271] {strides = array<i32>} : memref<16x1024xi32, #tpu.memory_space<vmem>>, vector<16xi32>,
      tpu.vector_store %arg5[%swap3A_270, %swap3A_271], %select_n3A_266 {strides = array<i32>} : memref<16x1024xi32, #tpu.memory_space<vmem>>, vector<16xi32>,
      %mul3A_273 = arith.constant 4.9967266E-6 : f32
      %mul3A_274 = vector.broadcast %mul3A_273 : f32 to vector<16xf32>
      %mul3A_275 = arith.mulf %convert_element_type3A_63, %mul3A_274 : vector<16xf32>
      %convert_element_type3A_276 = arith.fptosi %mul3A_275 : vector<16xf32> to vector<16xi32>
      %mul3A_277 = arith.constant 200131 : i32
      %mul3A_278 = vector.broadcast %mul3A_277 : i32 to vector<16xi32>
      %mul3A_279 = arith.muli %convert_element_type3A_276, %mul3A_278 : vector<16xi32>
      %sub3A_280 = arith.subi %xor3A_61, %mul3A_279 : vector<16xi32>
      %ge3A_281 = arith.constant 200131 : i32
      %ge3A_282 = vector.broadcast %ge3A_281 : i32 to vector<16xi32>
      %ge3A_283 = arith.cmpi sge, %sub3A_280, %ge3A_282 : vector<16xi32>
      %sub3A_284 = arith.constant 200131 : i32
      %sub3A_285 = vector.broadcast %sub3A_284 : i32 to vector<16xi32>
      %sub3A_286 = arith.subi %sub3A_280, %sub3A_285 : vector<16xi32>
      %select_n3A_287 = arith.select %ge3A_283, %sub3A_286, %sub3A_280 : vector<16xi1>, vector<16xi32>
      %mul3A_288 = arith.constant 16 : i32
      %mul3A_289 = arith.muli %while3A_38, %mul3A_288 : i32
      %swap3A_290 = arith.constant 10 : i64
      %swap3A_291 = arith.index_cast %swap3A_290 : i64 to index
      %swap3A_292 = arith.index_cast %mul3A_289 : i32 to index
      %swap3A_293 = tpu.vector_load %arg5[%swap3A_291, %swap3A_292] {strides = array<i32>} : memref<16x1024xi32, #tpu.memory_space<vmem>>, vector<16xi32>,
      tpu.vector_store %arg5[%swap3A_291, %swap3A_292], %select_n3A_287 {strides = array<i32>} : memref<16x1024xi32, #tpu.memory_space<vmem>>, vector<16xi32>,
      %mul3A_294 = arith.constant 4.99617727E-6 : f32
      %mul3A_295 = vector.broadcast %mul3A_294 : f32 to vector<16xf32>
      %mul3A_296 = arith.mulf %convert_element_type3A_63, %mul3A_295 : vector<16xf32>
      %convert_element_type3A_297 = arith.fptosi %mul3A_296 : vector<16xf32> to vector<16xi32>
      %mul3A_298 = arith.constant 200153 : i32
      %mul3A_299 = vector.broadcast %mul3A_298 : i32 to vector<16xi32>
      %mul3A_300 = arith.muli %convert_element_type3A_297, %mul3A_299 : vector<16xi32>
      %sub3A_301 = arith.subi %xor3A_61, %mul3A_300 : vector<16xi32>
      %ge3A_302 = arith.constant 200153 : i32
      %ge3A_303 = vector.broadcast %ge3A_302 : i32 to vector<16xi32>
      %ge3A_304 = arith.cmpi sge, %sub3A_301, %ge3A_303 : vector<16xi32>
      %sub3A_305 = arith.constant 200153 : i32
      %sub3A_306 = vector.broadcast %sub3A_305 : i32 to vector<16xi32>
      %sub3A_307 = arith.subi %sub3A_301, %sub3A_306 : vector<16xi32>
      %select_n3A_308 = arith.select %ge3A_304, %sub3A_307, %sub3A_301 : vector<16xi1>, vector<16xi32>
      %mul3A_309 = arith.constant 16 : i32
      %mul3A_310 = arith.muli %while3A_38, %mul3A_309 : i32
      %swap3A_311 = arith.constant 11 : i64
      %swap3A_312 = arith.index_cast %swap3A_311 : i64 to index
      %swap3A_313 = arith.index_cast %mul3A_310 : i32 to index
      %swap3A_314 = tpu.vector_load %arg5[%swap3A_312, %swap3A_313] {strides = array<i32>} : memref<16x1024xi32, #tpu.memory_space<vmem>>, vector<16xi32>,
      tpu.vector_store %arg5[%swap3A_312, %swap3A_313], %select_n3A_308 {strides = array<i32>} : memref<16x1024xi32, #tpu.memory_space<vmem>>, vector<16xi32>,
      %mul3A_315 = arith.constant 4.99602766E-6 : f32
      %mul3A_316 = vector.broadcast %mul3A_315 : f32 to vector<16xf32>
      %mul3A_317 = arith.mulf %convert_element_type3A_63, %mul3A_316 : vector<16xf32>
      %convert_element_type3A_318 = arith.fptosi %mul3A_317 : vector<16xf32> to vector<16xi32>
      %mul3A_319 = arith.constant 200159 : i32
      %mul3A_320 = vector.broadcast %mul3A_319 : i32 to vector<16xi32>
      %mul3A_321 = arith.muli %convert_element_type3A_318, %mul3A_320 : vector<16xi32>
      %sub3A_322 = arith.subi %xor3A_61, %mul3A_321 : vector<16xi32>
      %ge3A_323 = arith.constant 200159 : i32
      %ge3A_324 = vector.broadcast %ge3A_323 : i32 to vector<16xi32>
      %ge3A_325 = arith.cmpi sge, %sub3A_322, %ge3A_324 : vector<16xi32>
      %sub3A_326 = arith.constant 200159 : i32
      %sub3A_327 = vector.broadcast %sub3A_326 : i32 to vector<16xi32>
      %sub3A_328 = arith.subi %sub3A_322, %sub3A_327 : vector<16xi32>
      %select_n3A_329 = arith.select %ge3A_325, %sub3A_328, %sub3A_322 : vector<16xi1>, vector<16xi32>
      %mul3A_330 = arith.constant 16 : i32
      %mul3A_331 = arith.muli %while3A_38, %mul3A_330 : i32
      %swap3A_332 = arith.constant 12 : i64
      %swap3A_333 = arith.index_cast %swap3A_332 : i64 to index
      %swap3A_334 = arith.index_cast %mul3A_331 : i32 to index
      %swap3A_335 = tpu.vector_load %arg5[%swap3A_333, %swap3A_334] {strides = array<i32>} : memref<16x1024xi32, #tpu.memory_space<vmem>>, vector<16xi32>,
      tpu.vector_store %arg5[%swap3A_333, %swap3A_334], %select_n3A_329 {strides = array<i32>} : memref<16x1024xi32, #tpu.memory_space<vmem>>, vector<16xi32>,
      %mul3A_336 = arith.constant 4.99572798E-6 : f32
      %mul3A_337 = vector.broadcast %mul3A_336 : f32 to vector<16xf32>
      %mul3A_338 = arith.mulf %convert_element_type3A_63, %mul3A_337 : vector<16xf32>
      %convert_element_type3A_339 = arith.fptosi %mul3A_338 : vector<16xf32> to vector<16xi32>
      %mul3A_340 = arith.constant 200171 : i32
      %mul3A_341 = vector.broadcast %mul3A_340 : i32 to vector<16xi32>
      %mul3A_342 = arith.muli %convert_element_type3A_339, %mul3A_341 : vector<16xi32>
      %sub3A_343 = arith.subi %xor3A_61, %mul3A_342 : vector<16xi32>
      %ge3A_344 = arith.constant 200171 : i32
      %ge3A_345 = vector.broadcast %ge3A_344 : i32 to vector<16xi32>
      %ge3A_346 = arith.cmpi sge, %sub3A_343, %ge3A_345 : vector<16xi32>
      %sub3A_347 = arith.constant 200171 : i32
      %sub3A_348 = vector.broadcast %sub3A_347 : i32 to vector<16xi32>
      %sub3A_349 = arith.subi %sub3A_343, %sub3A_348 : vector<16xi32>
      %select_n3A_350 = arith.select %ge3A_346, %sub3A_349, %sub3A_343 : vector<16xi1>, vector<16xi32>
      %mul3A_351 = arith.constant 16 : i32
      %mul3A_352 = arith.muli %while3A_38, %mul3A_351 : i32
      %swap3A_353 = arith.constant 13 : i64
      %swap3A_354 = arith.index_cast %swap3A_353 : i64 to index
      %swap3A_355 = arith.index_cast %mul3A_352 : i32 to index
      %swap3A_356 = tpu.vector_load %arg5[%swap3A_354, %swap3A_355] {strides = array<i32>} : memref<16x1024xi32, #tpu.memory_space<vmem>>, vector<16xi32>,
      tpu.vector_store %arg5[%swap3A_354, %swap3A_355], %select_n3A_350 {strides = array<i32>} : memref<16x1024xi32, #tpu.memory_space<vmem>>, vector<16xi32>,
      %mul3A_357 = arith.constant 4.99557837E-6 : f32
      %mul3A_358 = vector.broadcast %mul3A_357 : f32 to vector<16xf32>
      %mul3A_359 = arith.mulf %convert_element_type3A_63, %mul3A_358 : vector<16xf32>
      %convert_element_type3A_360 = arith.fptosi %mul3A_359 : vector<16xf32> to vector<16xi32>
      %mul3A_361 = arith.constant 200177 : i32
      %mul3A_362 = vector.broadcast %mul3A_361 : i32 to vector<16xi32>
      %mul3A_363 = arith.muli %convert_element_type3A_360, %mul3A_362 : vector<16xi32>
      %sub3A_364 = arith.subi %xor3A_61, %mul3A_363 : vector<16xi32>
      %ge3A_365 = arith.constant 200177 : i32
      %ge3A_366 = vector.broadcast %ge3A_365 : i32 to vector<16xi32>
      %ge3A_367 = arith.cmpi sge, %sub3A_364, %ge3A_366 : vector<16xi32>
      %sub3A_368 = arith.constant 200177 : i32
      %sub3A_369 = vector.broadcast %sub3A_368 : i32 to vector<16xi32>
      %sub3A_370 = arith.subi %sub3A_364, %sub3A_369 : vector<16xi32>
      %select_n3A_371 = arith.select %ge3A_367, %sub3A_370, %sub3A_364 : vector<16xi1>, vector<16xi32>
      %mul3A_372 = arith.constant 16 : i32
      %mul3A_373 = arith.muli %while3A_38, %mul3A_372 : i32
      %swap3A_374 = arith.constant 14 : i64
      %swap3A_375 = arith.index_cast %swap3A_374 : i64 to index
      %swap3A_376 = arith.index_cast %mul3A_373 : i32 to index
      %swap3A_377 = tpu.vector_load %arg5[%swap3A_375, %swap3A_376] {strides = array<i32>} : memref<16x1024xi32, #tpu.memory_space<vmem>>, vector<16xi32>,
      tpu.vector_store %arg5[%swap3A_375, %swap3A_376], %select_n3A_371 {strides = array<i32>} : memref<16x1024xi32, #tpu.memory_space<vmem>>, vector<16xi32>,
      %mul3A_378 = arith.constant 4.99542875E-6 : f32
      %mul3A_379 = vector.broadcast %mul3A_378 : f32 to vector<16xf32>
      %mul3A_380 = arith.mulf %convert_element_type3A_63, %mul3A_379 : vector<16xf32>
      %convert_element_type3A_381 = arith.fptosi %mul3A_380 : vector<16xf32> to vector<16xi32>
      %mul3A_382 = arith.constant 200183 : i32
      %mul3A_383 = vector.broadcast %mul3A_382 : i32 to vector<16xi32>
      %mul3A_384 = arith.muli %convert_element_type3A_381, %mul3A_383 : vector<16xi32>
      %sub3A_385 = arith.subi %xor3A_61, %mul3A_384 : vector<16xi32>
      %ge3A_386 = arith.constant 200183 : i32
      %ge3A_387 = vector.broadcast %ge3A_386 : i32 to vector<16xi32>
      %ge3A_388 = arith.cmpi sge, %sub3A_385, %ge3A_387 : vector<16xi32>
      %sub3A_389 = arith.constant 200183 : i32
      %sub3A_390 = vector.broadcast %sub3A_389 : i32 to vector<16xi32>
      %sub3A_391 = arith.subi %sub3A_385, %sub3A_390 : vector<16xi32>
      %select_n3A_392 = arith.select %ge3A_388, %sub3A_391, %sub3A_385 : vector<16xi1>, vector<16xi32>
      %mul3A_393 = arith.constant 16 : i32
      %mul3A_394 = arith.muli %while3A_38, %mul3A_393 : i32
      %swap3A_395 = arith.constant 15 : i64
      %swap3A_396 = arith.index_cast %swap3A_395 : i64 to index
      %swap3A_397 = arith.index_cast %mul3A_394 : i32 to index
      %swap3A_398 = tpu.vector_load %arg5[%swap3A_396, %swap3A_397] {strides = array<i32>} : memref<16x1024xi32, #tpu.memory_space<vmem>>, vector<16xi32>,
      tpu.vector_store %arg5[%swap3A_396, %swap3A_397], %select_n3A_392 {strides = array<i32>} : memref<16x1024xi32, #tpu.memory_space<vmem>>, vector<16xi32>,
    }
    %mul3A_36 = arith.constant 1024 : i32
    %mul3A_37 = arith.muli %and3A_20, %mul3A_36 : i32
    "tpu.region"() ({
      %run_scoped3A = tpu.sem_alloc : memref<!tpu.dma_semaphore, #tpu.memory_space<semaphore_mem>>
      %dma_start3A = arith.constant 0 : i32
      %dma_start3A_38 = tpu.memref_slice %arg3[%select_n3A, %dma_start3A, %mul3A_37] : memref<4x16x8192xi32, #tpu.memory_space<hbm>> -> memref<1x16x1024xi32, #tpu.memory_space<hbm>>
      %dma_start3A_39 = tpu.memref_squeeze %dma_start3A_38 : memref<1x16x1024xi32, #tpu.memory_space<hbm>> -> memref<16x1024xi32, #tpu.memory_space<hbm>>
      %dma_start3A_40 = arith.constant 0 : i32
      %dma_start3A_41 = tpu.memref_slice %arg3[%select_n3A, %dma_start3A_40, %mul3A_37] : memref<4x16x8192xi32, #tpu.memory_space<hbm>> -> memref<1x16x1024xi32, #tpu.memory_space<hbm>>
      %dma_start3A_42 = tpu.memref_squeeze %dma_start3A_41 : memref<1x16x1024xi32, #tpu.memory_space<hbm>> -> memref<16x1024xi32, #tpu.memory_space<hbm>>
      tpu.enqueue_dma source(%arg5 : memref<16x1024xi32, #tpu.memory_space<vmem>>) target(%dma_start3A_42 : memref<16x1024xi32, #tpu.memory_space<hbm>>) target_semaphore(%run_scoped3A : memref<!tpu.dma_semaphore, #tpu.memory_space<semaphore_mem>>)
      %dma_wait3A = arith.constant 0 : i32
      %dma_wait3A_43 = tpu.memref_slice %arg3[%select_n3A, %dma_wait3A, %mul3A_37] : memref<4x16x8192xi32, #tpu.memory_space<hbm>> -> memref<1x16x1024xi32, #tpu.memory_space<hbm>>
      %dma_wait3A_44 = tpu.memref_squeeze %dma_wait3A_43 : memref<1x16x1024xi32, #tpu.memory_space<hbm>> -> memref<16x1024xi32, #tpu.memory_space<hbm>>
      %dma_wait3A_45 = arith.constant 0 : i32
      %dma_wait3A_46 = tpu.memref_slice %arg3[%select_n3A, %dma_wait3A_45, %mul3A_37] : memref<4x16x8192xi32, #tpu.memory_space<hbm>> -> memref<1x16x1024xi32, #tpu.memory_space<hbm>>
      %dma_wait3A_47 = tpu.memref_squeeze %dma_wait3A_46 : memref<1x16x1024xi32, #tpu.memory_space<hbm>> -> memref<16x1024xi32, #tpu.memory_space<hbm>>
      tpu.wait_dma2 semaphore(%run_scoped3A : memref<!tpu.dma_semaphore, #tpu.memory_space<semaphore_mem>>) src(%arg5 : memref<16x1024xi32, #tpu.memory_space<vmem>>) dst(%dma_wait3A_47 : memref<16x1024xi32, #tpu.memory_space<hbm>>)
      tpu.yield
    }) : () -> ()
    return
  }
}

</mosaic_0001>

<sc_bundles>
// kernel: kernel.3.cloned.1.call-start
scs
__scs_entry_jumppad:
0x0: {  	(pc) =	sbr.rel $0x88, $3  }
0x1: {  	(tag) =	ssettag $0x0;
	lr =	simm.s32 $0x1  }
0x2: {  	[smem:$0x3FA0] =	sst lr;
	_ =	strace $0xD0000000  }
0x3: {  	_ = 	snop  }
0x4: {  	_ = 	snop  }
0x5: {  	_ = 	snop  }
0x6: {  	_ = 	snop  }
0x7: {  	_ = 	snop  }
__scs_overlays_trampoline_lowered:
0x8: {  	[smem:$0x3FAF] =	sst s0  }
0x9: {  	[smem:$0x3FB0] =	sst s1  }
0xa: {  	[smem:$0x3FB1] =	sst s2  }
0xb: {  	[smem:$0x3FB2] =	sst s3  }
0xc: {  	[smem:$0x3FB3] =	sst s4  }
0xd: {  	[smem:$0x3FB4] =	sst s5  }
0xe: {  	[smem:$0x3FB5] =	sst s6  }
0xf: {  	[smem:$0x3FB6] =	sst s7  }
0x10: {  	[smem:$0x3FB7] =	sst s8  }
0x11: {  	[smem:$0x3FB8] =	sst s9;
	s0 =	simm.s32 @!p0 $0x0  }
0x12: {  	s1 =	sld [smem:$0x3F9E];
	s0 =	simm.s32 @p0 $0x1  }
0x13: {  	[smem:$0x3FB9] =	sst s0;
	s0 =	simm.s32 @!p1 $0x0  }
0x14: {  	s2 =	sld [smem:$0x3F9D];
	s0 =	simm.s32 @p1 $0x1  }
0x15: {  	[smem:$0x3FBA] =	sst s0;
	s0 =	simm.s32 @!p2 $0x0  }
0x16: {  	s3 =	sld [smem:$0x3FDB];
	s0 =	simm.s32 @p2 $0x1  }
0x17: {  	s4 =	simm.s32 $0x1BF5;
	[smem:$0x3FBC] =	sst s0  }
0x18: {  	s0 =	sld [smem:$0x3F9F];
	_ =	swait.ge [sflag:s4], $0x0  }
0x19: {  	s7 =	sld [smem:$0x3FA0]  }
0x1a: {  	s8 =	sadd.s32 $0xFFFFE003, lr  }
0x1b: {  	s9 =	sadd.s32 $0xFFFFFEF7, lr;
	s5 =	simm.s32 $0xFFFFFFFF;
	p2 =	slt.u32 s8, $0xFFFFF086  }
0x1c: {  	p1 =	slt.u32 s9, $0xF7A;
	s5 =	simm.s32 @!p2 $0x0  }
0x1d: {  	s5 =	simm.s32 @p1 $0x1;
	p0 =	seq.s32 s7, s2  }
0x1e: {  	s7 =	smul.u32 @!p0 $0xF7A, s2;
	p2 =	seq.s32 @!p0 s5, $0x0  }
0x1f: {  	s9 =	smul.u32 $0xF7A, s1;
	s8 =	simm.s32 @!p0 $0x1BF5;
	p2 =	por !p2, p0  }
0x20: {  	[sflag:s8] =	ssyncset.s32 @!p0 $0xFFFFF086;
	s6 =	sadd.s32 @!p0 s3, s7;
	s7 =	simm.s32 @!p0 $0x108  }
0x21: {  	s3 =	sadd.s32 s3, s9;
	s6 =	sadd.s32 @!p0 $0x88, s6;
	s7 =	simm.s32 @p2 $0x1082  }
0x22: {  	[simem:s7], [sflag:s8] =	dma.local @!p0 [hbm:s6], $0xF7A  }
0x23: {  	s9 =	sor.u32 $0xD0000000, s2;
	s6 =	simm.s32 $0x108;
	_ =	swait.ge @!p0 [sflag:s8], $0x0  }
0x24: {  	s3 =	sadd.s32 $0x88, s3;
	s6 =	simm.s32 @!p1 $0x1082;
	[sflag:s4] =	ssyncset.s32 $0xFFFFF086  }
0x25: {  	[simem:s6], [sflag:s4] =	dma.local [hbm:s3], $0xF7A  }
0x26: {  	[smem:$0x3FA0] =	sst s1;
	(tag) =	ssettag s2;
	_ =	strace s9  }
0x27: {  	s1 =	sld [smem:$0x3FB0]  }
0x28: {  	s2 =	sld [smem:$0x3FB1]  }
0x29: {  	s4 =	sld [smem:$0x3FB3]  }
0x2a: {  	p0 =	seq.s32 s5, $0x0;
	s5 =	sld [smem:$0x3FB4]  }
0x2b: {  	s6 =	sld [smem:$0x3FB5]  }
0x2c: {  	s7 =	sld [smem:$0x3FB6]  }
0x2d: {  	s3 =	simm.s32 $0x108;
	s8 =	sld [smem:$0x3FB7]  }
0x2e: {  	s3 =	simm.s32 @!p0 $0x1082;
	s9 =	sld [smem:$0x3FB8]  }
0x2f: {  	lr =	sadd.s32 s0, s3;
	s0 =	sld [smem:$0x3FAF]  }
0x30: {  	s3 =	sld [smem:$0x3FB2]  }
0x31: {  	[smem:$0x3FBB] =	sst s10  }
0x32: {  	s10 =	sld [smem:$0x3FB9];
	_ =	sdelay $0x3  }
0x33: {  	p0 =	seq.s32 s10, $0x1;
	s10 =	sld [smem:$0x3FBB];
	_ =	sdelay $0x3  }
0x34: {  	[smem:$0x3FBB] =	sst s10  }
0x35: {  	s10 =	sld [smem:$0x3FBA];
	_ =	sdelay $0x3  }
0x36: {  	p1 =	seq.s32 s10, $0x1;
	s10 =	sld [smem:$0x3FBB];
	_ =	sdelay $0x3  }
0x37: {  	[smem:$0x3FBB] =	sst s10  }
0x38: {  	s10 =	sld [smem:$0x3FBC]  }
0x39: {  	_ = 	snop;
	(pc) =	sbr.ind lr, $3  }
0x3a: {  	_ = 	snop  }
0x3b: {  	_ = 	snop  }
0x3c: {  	p2 =	seq.s32 s10, $0x1;
	s10 =	sld [smem:$0x3FBB]  }
0x3d: {  	_ =	shalt  }
0x3e: {  	_ =	shalt  }
0x3f: {  	_ =	shalt  }
0x40: {  	_ =	shalt  }
0x41: {  	_ =	shalt  }
0x42: {  	_ =	shalt  }
0x43: {  	_ =	shalt  }
0x44: {  	_ =	shalt  }
0x45: {  	_ =	shalt  }
0x46: {  	_ =	shalt  }
0x47: {  	_ =	shalt  }
0x48: {  	_ =	shalt  }
0x49: {  	_ =	shalt  }
0x4a: {  	_ =	shalt  }
0x4b: {  	_ =	shalt  }
0x4c: {  	_ =	shalt  }
0x4d: {  	_ =	shalt  }
0x4e: {  	_ =	shalt  }
0x4f: {  	_ =	shalt  }
0x50: {  	_ =	shalt  }
0x51: {  	_ =	shalt  }
0x52: {  	_ =	shalt  }
0x53: {  	_ =	shalt  }
0x54: {  	_ =	shalt  }
0x55: {  	_ =	shalt  }
0x56: {  	_ =	shalt  }
0x57: {  	_ =	shalt  }
0x58: {  	_ =	shalt  }
0x59: {  	_ =	shalt  }
0x5a: {  	_ =	shalt  }
0x5b: {  	_ =	shalt  }
0x5c: {  	_ =	shalt  }
0x5d: {  	_ =	shalt  }
0x5e: {  	_ =	shalt  }
0x5f: {  	_ =	shalt  }
0x60: {  	_ =	shalt  }
0x61: {  	_ =	shalt  }
0x62: {  	_ =	shalt  }
0x63: {  	_ =	shalt  }
0x64: {  	_ =	shalt  }
0x65: {  	_ =	shalt  }
0x66: {  	_ =	shalt  }
0x67: {  	_ =	shalt  }
0x68: {  	_ =	shalt  }
0x69: {  	_ =	shalt  }
0x6a: {  	_ =	shalt  }
0x6b: {  	_ =	shalt  }
0x6c: {  	_ =	shalt  }
0x6d: {  	_ =	shalt  }
0x6e: {  	_ =	shalt  }
0x6f: {  	_ =	shalt  }
0x70: {  	_ =	shalt  }
0x71: {  	_ =	shalt  }
0x72: {  	_ =	shalt  }
0x73: {  	_ =	shalt  }
0x74: {  	_ =	shalt  }
0x75: {  	_ =	shalt  }
0x76: {  	_ =	shalt  }
0x77: {  	_ =	shalt  }
0x78: {  	_ =	shalt  }
0x79: {  	_ =	shalt  }
0x7a: {  	_ =	shalt  }
0x7b: {  	_ =	shalt  }
0x7c: {  	_ =	shalt  }
0x7d: {  	_ =	shalt  }
0x7e: {  	_ =	shalt  }
0x7f: {  	_ =	shalt  }
0x80: {  	_ =	shalt  }
0x81: {  	_ =	shalt  }
0x82: {  	_ =	shalt  }
0x83: {  	_ =	shalt  }
0x84: {  	_ =	shalt  }
0x85: {  	_ =	shalt  }
0x86: {  	_ =	shalt  }
0x87: {  	_ =	shalt  }
.Lfunc_end0:
.L_simem_size_0:
called_computation_lowered:
.L_overlay_start_0:
0x88: {  	s2 =	sld [smem:$0x3FD9]  }
0x89: {  	s3 =	sld [smem:$0x3FFE];
	_ =	sdelay $0x1  }
0x8a: {  	s1 =	srdreg.scid  }
0x8b: {  	s0 =	sand.u32 $0x1, s1  }
0x8c: {  	s17 =	sshll.u32 s0, $0xA;
	s2 =	sadd.s32 s3, s2  }
0x8d: {  	s2 =	sadd.s32 s2, s17  }
0x8e: {  	[smem:$0x3FC7] =	sst s2  }
0x8f: {  	_ = 	snop  }
0x90: {  	s2 =	sld [smem:$0x3FD0];
	(tm) =	ssettm $0x1  }
0x91: {  	s18 =	sld [smem:$0x3FFB];
	_ =	sdelay $0x3  }
0x92: {  	_ =	strace s18  }
0x93: {  	s3 =	sld [smem:$0x3FFC];
	_ =	sdelay $0x3  }
0x94: {  	_ =	strace s3  }
0x95: {  	s3 =	sld [smem:$0x3FFD];
	_ =	sdelay $0x3  }
0x96: {  	_ =	strace s3  }
0x97: {  	_ =	strace $0x8FFFFFFF  }
0x98: {  	s19 =	sld [smem:$0x3FDB];
	_ =	sdelay $0x1  }
0x99: {  	s4 =	simm.s32 $_scs_section_size  }
0x9a: {  	s5 =	simm.s32 $_size__tile_overlayer_lowered;
	s6 =	simm.s32 $_tile_overlayer_lowered  }
0x9b: {  	s22 =	simm.s32 $0x1BFF;
	s21 =	sshll.u32 s6, $0x1;
	s3 =	sadd.s32 s4, s19  }
0x9c: {  	s7 =	simm.s32 $0x0;
	s20 =	sshll.u32 s5, $0x1;
	s5 =	sadd.s32 s21, s3  }
0x9d: {  	[timem:s7], [sflag:s22] =	dma.local [hbm:s5], s20  }
0x9e: {  	_ =	swait.ge [sflag:s22], s20  }
0x9f: {  	s4 =	ssub.s32 $0x0, s20;
	[sflag:s22] =	ssyncset.done $0x0  }
0xa0: {  	[sflag:s22] =	ssyncadd.s32 s4;
	_ =	sdelay $0x1  }
0xa1: {  	s23 =	simm.s32 $0x1B8B  }
0xa2: {  	_ =	swait.ge [sflag:s23], $0x1  }
0xa3: {  	[sflag:s23] =	ssyncset.done $0x0  }
0xa4: {  	s25 =	simm.s32 $0x1B8E;
	s24 =	sld [smem:$0x3FFE];
	[sflag:s23] =	ssyncadd.s32 $0xFFFFFFFF  }
0xa5: {  	s26 =	simm.s32 $execute0_lowered;
	[smem:$0x3FD2] =	sst s25  }
0xa6: {  	s5 =	sshll.u32 s26, $0x1;
	_ =	strace $0x80000046;
	[dreg:$0x1] =	wrdreg $0xFFFFFFFF  }
0xa7: {  	s28 =	simm.s32 $_size_execute0_lowered;
	s3 =	sadd.s32 s3, s5;
	[dreg:$0x0] =	wrdreg $0x0  }
0xa8: {  	s5 =	sshll.u32 s28, $0x1;
	[dreg:$0x2] =	wrdreg s3  }
0xa9: {  	[dreg:$0x3] =	wrdreg s5  }
0xaa: {  	[dreg:$0x4] =	wrdreg $0xC0  }
0xab: {  	_ =	task [dreg:s7], $0x5FFFF  }
0xac: {  	[dreg:$0x1] =	wrdreg $0xFFFFFFFF  }
0xad: {  	[dreg:$0x0] =	wrdreg $0x60  }
0xae: {  	[dreg:$0x2] =	wrdreg s24  }
0xaf: {  	[dreg:$0x3] =	wrdreg s2  }
0xb0: {  	[dreg:$0x4] =	wrdreg $0x9  }
0xb1: {  	_ =	task.clear_ibuf [dreg:s7], $0x5FFFF;
	_ =	strace $0x90000046  }
0xb2: {  	s29 =	simm.s32 $0x9;
	_ =	strace $0x80000048  }
0xb3: {  	_ =	swait.ge [sflag:s29], $0x1  }
0xb4: {  	[sflag:s29] =	ssyncadd.s32 $0xFFFFFFFF  }
0xb5: {  	_ =	strace $0x90000048  }
0xb6: {  	_ =	sfence  }
0xb7: {  	s30 =	sld [smem:$0x0];
	_ =	sdelay $0x2  }
0xb8: {  	s31 =	sshll.u32 s1, $0xD;
	s1 =	sshrl.u32 s1, $0x2  }
0xb9: {  	s3 =	sand.u32 $0x4000, s31;
	s1 =	sadd.s32 s1, s30  }
0xba: {  	s0 =	sor.u32 s3, s0;
	s1 =	sshll.u32 s1, $0x11  }
0xbb: {  	s0 =	sor.u32 s1, s0  }
0xbc: {  	s0 =	sadd.s32 $0x8F2B, s0  }
0xbd: {  	[sflag:s0] =	ssyncadd.remote.s32 $0x1  }
0xbe: {  	_ =	sfence.sel $0xFFFF  }
0xbf: {  	[dreg:$0x0] =	wrdreg $0xFFFFFFFF;
	(pc) =	sbr.abs _section_cstart, $3  }
0xc0: {  	[dreg:$0x1] =	wrdreg $0xFFFFFFFF  }
0xc1: {  	_ =	task.clear_ibuf [dreg:s7], $0x2FFFF;
	_ =	strace $0x9FFFFFFF  }
0xc2: {  	(tm) =	ssettm $0x7FFFFFFF  }
0xc3: {  	_ =	shalt  }
tec
execute0_lowered:
.L_overlay_start_1:
0x0: {  	(tag) =	ssettag $0x1  }
0x1: {  	s3 =	rddreg [dreg:$0x0]  }
0x2: {  	s5 =	rddreg [dreg:$0x1]  }
0x3: {  	s0 =	rddreg [dreg:$0x2];
	s2 =	simm.s32 $0x0;
	s4 =	srdreg.scid  }
0x4: {  	s1 =	stileid.u32;
	s11 =	simm.s32 $0x480;
	s12 =	simm.s32 $0x0  }
0x5: {  	[smem:$0x7FF] =	sst s2;
	s4 =	sand.u32 $0x1, s4;
	s7 =	sshll.u32 s1, $0x1  }
0x6: {  	s8 =	sadd.s32 $0x600, s3;
	s10 =	sshll.u32 s1, $0xC;
	_ =	strace $0x80000047  }
0x7: {  	s6 =	ssub.s32 $0x2, s4;
	s4 =	sor.u32 s4, s7;
	s30 =	sand.u32 $0xC000, s10  }
0x8: {  	s10 =	simm.s32 $0x10000;
	s26 =	sshrl.u32 s6, $0x1;
	s7 =	sand.u32 $0x7, s4  }
0x9: {  	s28 =	sshll.u32 s4, $0xA;
	s4 =	sshll.u32 s4, $0x7;
	s5 =	sadd.s32 s5, s30  }
0xa: {  	s6 =	ssub.s32 s6, s26;
	s9 =	sadd.s32 $0xFFFFFFF8, s28;
	s3 =	sadd.s32 s8, s4  }
0xb: {  	s31 =	sshll.u32 s7, $0xA;
	p0 =	seq.s32 s7, $0x0;
	s7 =	simm.s32 $0x10  }
0xc: {  	s29 =	sshrl.u32 s9, $0x3;
	s5 =	sadd.s32 s31, s5;
	s6 =	smax.u32 s6, $0x1  }
0xd: {  	v0 =	vimm.s32 $0x0;
	s9 =	simm.s32 $0x2000;
	s4 =	sadd.s32 s8, s29;
	s8 =	simm.s32 $0x1  }
.LBB2_1:
0xe: {  	[tilespmem:$0x0] =	vst v0  }
0xf: {  	[tilespmem:s7], [sflag:$0x1] =	stream.linear.gather [hbm4b:s3+s2], $0x400, $0x38;
	[tilespmem:$0x4480] =	vst v63  }
0x10: {  	_ =	swait.ge [sflag:s8], $0x400  }
0x11: {  	[sflag:s8] =	ssyncset.done $0x0  }
0x12: {  	s13 =	simm.s32 @!p0 $0x0;
	s14 =	simm.s32 @!p0 $0x8;
	[sflag:s8] =	ssyncadd.s32 $0xFFFFFC00  }
0x13: {  	[tilespmem:s14], [sflag:$0x1] =	stream.linear.gather @!p0 [hbm4b:s4+s13], $0x8, $0x38;
	[tilespmem:$0x4480] =	vst v63  }
0x14: {  	s13 =	simm.s32 @!p0 $0x1  }
0x15: {  	_ =	swait.ge @!p0 [sflag:s13], $0x8  }
0x16: {  	[sflag:s13] =	ssyncset.done @!p0 $0x0  }
0x17: {  	[sflag:s13] =	ssyncadd.s32 @!p0 $0xFFFFFFF8  }
0x18: {  	v1 =	vld [tilespmem:s7+$0x0]  }
0x19: {  	v2 =	vld [tilespmem:s7+$0xFFFFFFFF]  }
0x1a: {  	v3 =	vld [tilespmem:s7+$0xFFFFFFFE];
	_ =	sdelay $0x3  }
0x1b: {  	v1 =	vmul.u32 $0x3, v1;
	v2 =	vmul.u32 $0x5, v2  }
0x1c: {  	v3 =	vmul.u32 $0x7, v3  }
0x1d: {  	v2 =	vxor.u32 v1, v2  }
0x1e: {  	v1 =	vxor.u32 v3, v2;
	v9 =	vcvt.s32.f32 v2  }
0x1f: {  	v5 =	vcvt.s32.f32 v1  }
0x20: {  	v4 =	vmul.f32 $4.999574680e-06, v9;
	v3 =	vmul.f32 $4.999274550e-06, v9  }
0x21: {  	v7 =	vmul.f32 $4.999924390e-06, v9;
	v10 =	vmul.f32 $4.999424620e-06, v9  }
0x22: {  	v13 =	vmul.f32 $4.998974870e-06, v9;
	v6 =	vmul.f32 $4.996726600e-06, v5  }
0x23: {  	v15 =	vmul.f32 $4.997825270e-06, v5;
	v8 =	vtrunc.f32 v3  }
0x24: {  	v3 =	vmul.f32 $4.995578370e-06, v5;
	v11 =	vtrunc.f32 v7  }
0x25: {  	v7 =	vmul.f32 $4.998425080e-06, v9;
	v10 =	vtrunc.f32 v10  }
0x26: {  	v14 =	vcvt.f32.s32 v8;
	v8 =	vtrunc.f32 v4  }
0x27: {  	s16 =	simm.s32 $0x10;
	s17 =	simm.s32 $0x0;
	s18 =	simm.s32 $0x10;
	v4 =	vmul.f32 $4.995428750e-06, v5;
	v12 =	vcvt.f32.s32 v11  }
0x28: {  	s15 =	simm.s32 $0x0;
	s14 =	sand.u32 $0x1C00, s2;
	s13 =	sor.u32 s2, s2;
	v3 =	vtrunc.f32 v3;
	v11 =	vmul.u32 $0xFFFCF2A3, v14;
	v14 =	vtrunc.f32 v15  }
.LBB2_2:
0x29: {  	p1 =	sne.s32 s16, $0x3F0  }
0x2a: {  	v13 =	vtrunc.f32 v13;
	v14 =	vcvt.f32.s32 v14;
	s17 =	sadd.s32 $0x80, s17;
	s18 =	sadd.s32 $0x10, s18;
	s19 =	smov.u32 s16  }
0x2b: {  	s16 =	sadd.s32 $0x10, s16;
	v15 =	vmul.f32 $4.999774770e-06, v9;
	s21 =	sand.u32 $0x1C00, s17;
	s20 =	sor.u32 s17, s19;
	v12 =	vmul.u32 $0xFFFCF2BD, v12;
	v13 =	vcvt.f32.s32 v13  }
0x2c: {  	v16 =	vmul.f32 $4.995727980e-06, v5;
	v11 =	vadd.s32 v2, v11;
	v14 =	vmul.u32 $0xFFFCF269, v14  }
0x2d: {  	v15 =	vtrunc.f32 v15;
	v12 =	vadd.s32 v2, v12;
	v13 =	vmul.u32 $0xFFFCF297, v13  }
0x2e: {  	v9 =	vmul.f32 $4.999174510e-06, v9;
	v15 =	vcvt.f32.s32 v15;
	vm0 =	vgt.s32 v12, $0x30D42  }
0x2f: {  	v18 =	vmul.f32 $4.997076300e-06, v5;
	v17 =	vadd.s32 $0xFFFCF2BD, v12;
	v13 =	vadd.s32 v2, v13  }
0x30: {  	v9 =	vtrunc.f32 v9;
	v15 =	vmul.u32 $0xFFFCF2B7, v15;
	vm1 =	vgt.s32 v13, $0x30D68  }
0x31: {  	s22 =	sand.u32 $0x70, s15;
	v10 =	vcvt.f32.s32 v10;
	s15 =	smov.u32 s19;
	v9 =	vcvt.f32.s32 v9;
	v19 =	vadd.s32 $0xFFFCF297, v13  }
0x32: {  	s19 =	sor.u32 s22, s14;
	s14 =	smov.u32 s21;
	v12 =	vsel vm0, v17, v12;
	v15 =	vadd.s32 v2, v15;
	v13 =	vsel vm1, v19, v13  }
0x33: {  	v10 =	vmul.u32 $0xFFFCF2A9, v10;
	v9 =	vmul.u32 $0xFFFCF29F, v9;
	vm0 =	vgt.s32 v15, $0x30D48;
	[tilespmem:s19+$0x780] =	vst v13  }
0x34: {  	v8 =	vcvt.f32.s32 v8;
	vm1 =	vgt.s32 v11, $0x30D5C;
	[tilespmem:s19+$0x480] =	vst v12;
	v12 =	vadd.s32 $0xFFFCF2A3, v11  }
0x35: {  	v7 =	vtrunc.f32 v7;
	v10 =	vadd.s32 v2, v10;
	v9 =	vadd.s32 v2, v9  }
0x36: {  	vm2 =	vgt.s32 v9, $0x30D60;
	v17 =	vadd.s32 $0xFFFCF29F, v9;
	v13 =	vadd.s32 $0xFFFCF2A9, v10  }
0x37: {  	v8 =	vmul.u32 $0xFFFCF2AF, v8;
	vm3 =	vgt.s32 v10, $0x30D56;
	v9 =	vsel vm2, v17, v9  }
0x38: {  	v10 =	vsel vm3, v13, v10;
	v11 =	vsel vm1, v12, v11;
	v12 =	vtrunc.f32 v18  }
0x39: {  	v6 =	vtrunc.f32 v6;
	v8 =	vadd.s32 v2, v8;
	[tilespmem:s19+$0x680] =	vst v11;
	v11 =	vcvt.f32.s32 v12  }
0x3a: {  	v6 =	vcvt.f32.s32 v6;
	vm1 =	vgt.s32 v8, $0x30D50;
	[tilespmem:s19+$0x600] =	vst v10;
	v10 =	vmul.f32 $4.996177270e-06, v5  }
0x3b: {  	v12 =	vadd.s32 $0xFFFCF2AF, v8;
	v5 =	vmul.f32 $4.996027660e-06, v5;
	[tilespmem:s19+$0x700] =	vst v9;
	v9 =	vmul.u32 $0xFFFCF24B, v11  }
0x3c: {  	v6 =	vmul.u32 $0xFFFCF23D, v6;
	v8 =	vsel vm1, v12, v8;
	v10 =	vtrunc.f32 v10  }
0x3d: {  	v7 =	vcvt.f32.s32 v7;
	v5 =	vtrunc.f32 v5;
	[tilespmem:s19+$0x580] =	vst v8;
	v8 =	vadd.s32 v1, v9  }
0x3e: {  	v10 =	vcvt.f32.s32 v10;
	vm1 =	vgt.s32 v8, $0x30DB4;
	v9 =	vadd.s32 $0xFFFCF24B, v8  }
0x3f: {  	v7 =	vmul.u32 $0xFFFCF281, v7;
	v6 =	vadd.s32 v1, v6;
	v8 =	vsel vm1, v9, v8  }
0x40: {  	vm1 =	vgt.s32 v6, $0x30DC2;
	v9 =	vadd.s32 $0xFFFCF23D, v6;
	v10 =	vmul.u32 $0xFFFCF227, v10  }
0x41: {  	v2 =	vadd.s32 v2, v7;
	v7 =	vtrunc.f32 v16;
	v11 =	vadd.s32 $0xFFFCF2B7, v15  }
0x42: {  	v11 =	vsel vm0, v11, v15;
	vm0 =	vgt.s32 v2, $0x30D7E;
	v5 =	vcvt.f32.s32 v5  }
0x43: {  	v3 =	vcvt.f32.s32 v3;
	v10 =	vadd.s32 v1, v10;
	[tilespmem:s19+$0x500] =	vst v11;
	v11 =	vadd.s32 v1, v14  }
0x44: {  	v4 =	vtrunc.f32 v4;
	v5 =	vmul.u32 $0xFFFCF221, v5;
	vm2 =	vgt.s32 v10, $0x30DD8  }
0x45: {  	v4 =	vcvt.f32.s32 v4;
	v12 =	vadd.s32 $0xFFFCF227, v10;
	vm3 =	vgt.s32 v11, $0x30D96  }
0x46: {  	v6 =	vsel vm1, v9, v6;
	v9 =	vsel vm2, v12, v10;
	v13 =	vadd.s32 $0xFFFCF269, v11  }
0x47: {  	v4 =	vmul.u32 $0xFFFCF209, v4;
	v5 =	vadd.s32 v1, v5;
	v10 =	vadd.s32 $0xFFFCF281, v2  }
0x48: {  	s21 =	sor.u32 $0x380, s13;
	s13 =	smov.u32 s20;
	v7 =	vcvt.f32.s32 v7;
	v2 =	vsel vm0, v10, v2;
	v10 =	vsel vm3, v13, v11  }
0x49: {  	vm0 =	vgt.s32 v5, $0x30DDE;
	[tilespmem:s21+$0x480] =	vst v2;
	v2 =	vmul.u32 $0xFFFCF20F, v3;
	v3 =	vadd.s32 v1, v4  }
0x4a: {  	v4 =	vmul.u32 $0xFFFCF215, v7;
	[tilespmem:s19+$0x2480] =	vst v10;
	vm1 =	vgt.s32 v3, $0x30DF6;
	v7 =	vadd.s32 $0xFFFCF209, v3  }
0x4b: {  	[tilespmem:s19+$0x2500] =	vst v8;
	v8 =	vadd.s32 $0xFFFCF221, v5;
	v2 =	vadd.s32 v1, v2;
	v3 =	vsel vm1, v7, v3  }
0x4c: {  	v1 =	vadd.s32 v1, v4;
	v5 =	vsel vm0, v8, v5;
	vm0 =	vgt.s32 v2, $0x30DF0;
	[tilespmem:s19+$0x2800] =	vst v3  }
0x4d: {  	vm1 =	vgt.s32 v1, $0x30DEA;
	v3 =	vadd.s32 $0xFFFCF215, v1;
	v4 =	vadd.s32 $0xFFFCF20F, v2;
	[tilespmem:s19+$0x2580] =	vst v6  }
0x4e: {  	v1 =	vsel vm1, v3, v1;
	v2 =	vsel vm0, v4, v2;
	[tilespmem:s19+$0x2600] =	vst v9  }
0x4f: {  	[tilespmem:s19+$0x2700] =	vst v1  }
0x50: {  	[tilespmem:s19+$0x2680] =	vst v5  }
0x51: {  	[tilespmem:s19+$0x2780] =	vst v2  }
0x52: {  	v1 =	vld [tilespmem:s18+$0x0]  }
0x53: {  	v2 =	vld [tilespmem:s18+$0xFFFFFFFF]  }
0x54: {  	v3 =	vld [tilespmem:s18+$0xFFFFFFFE];
	_ =	sdelay $0x2  }
0x55: {  	v1 =	vmul.u32 $0x3, v1  }
0x56: {  	v2 =	vmul.u32 $0x5, v2  }
0x57: {  	v3 =	vmul.u32 $0x7, v3  }
0x58: {  	v2 =	vxor.u32 v1, v2  }
0x59: {  	v1 =	vxor.u32 v3, v2;
	v9 =	vcvt.s32.f32 v2  }
0x5a: {  	v5 =	vcvt.s32.f32 v1  }
0x5b: {  	v4 =	vmul.f32 $4.999574680e-06, v9;
	v3 =	vmul.f32 $4.999274550e-06, v9  }
0x5c: {  	v7 =	vmul.f32 $4.999924390e-06, v9;
	v6 =	vmul.f32 $4.996726600e-06, v5  }
0x5d: {  	v8 =	vtrunc.f32 v3;
	v3 =	vmul.f32 $4.995578370e-06, v5  }
0x5e: {  	v11 =	vtrunc.f32 v7;
	v7 =	vmul.f32 $4.998425080e-06, v9  }
.Ltmp0:
0x5f: {  	v10 =	vmul.f32 $4.999424620e-06, v9;
	v3 =	vtrunc.f32 v3;
	(pc) =	sbr.rel @p1 .LBB2_2-.Ltmp0, $4  }
0x60: {  	v15 =	vmul.f32 $4.997825270e-06, v5;
	v14 =	vcvt.f32.s32 v8  }
0x61: {  	v10 =	vtrunc.f32 v10;
	v8 =	vtrunc.f32 v4  }
0x62: {  	v13 =	vmul.f32 $4.998974870e-06, v9;
	v4 =	vmul.f32 $4.995428750e-06, v5  }
0x63: {  	v12 =	vcvt.f32.s32 v11;
	v11 =	vmul.u32 $0xFFFCF2A3, v14;
	v14 =	vtrunc.f32 v15  }
0x64: {  	v13 =	vtrunc.f32 v13;
	v14 =	vcvt.f32.s32 v14  }
0x65: {  	v15 =	vmul.f32 $4.999774770e-06, v9;
	v16 =	vmul.f32 $4.995727980e-06, v5  }
0x66: {  	v42 =	vmul.f32 $4.999174510e-06, v9;
	v18 =	vmul.f32 $4.997076300e-06, v5  }
0x67: {  	v10 =	vcvt.f32.s32 v10;
	v8 =	vcvt.f32.s32 v8  }
0x68: {  	v6 =	vtrunc.f32 v6;
	v47 =	vmul.f32 $4.996177270e-06, v5  }
0x69: {  	v7 =	vtrunc.f32 v7;
	v49 =	vmul.f32 $4.996027660e-06, v5  }
0x6a: {  	v4 =	vtrunc.f32 v4;
	v3 =	vcvt.f32.s32 v3;
	v12 =	vmul.u32 $0xFFFCF2BD, v12  }
0x6b: {  	v13 =	vcvt.f32.s32 v13;
	v11 =	vadd.s32 v2, v11;
	v6 =	vcvt.f32.s32 v6  }
0x6c: {  	v7 =	vcvt.f32.s32 v7;
	v4 =	vcvt.f32.s32 v4;
	v14 =	vmul.u32 $0xFFFCF269, v14  }
0x6d: {  	v15 =	vtrunc.f32 v15;
	v9 =	vtrunc.f32 v42;
	v10 =	vmul.u32 $0xFFFCF2A9, v10  }
0x6e: {  	vm5 =	vgt.s32 v11, $0x30D5C;
	v8 =	vmul.u32 $0xFFFCF2AF, v8;
	v46 =	vtrunc.f32 v18  }
0x6f: {  	v45 =	vadd.s32 $0xFFFCF2A3, v11;
	v18 =	vtrunc.f32 v47;
	v5 =	vtrunc.f32 v49  }
0x70: {  	v53 =	vtrunc.f32 v16;
	v3 =	vmul.u32 $0xFFFCF20F, v3;
	v12 =	vadd.s32 v2, v12  }
0x71: {  	v13 =	vmul.u32 $0xFFFCF297, v13;
	v15 =	vcvt.f32.s32 v15;
	v9 =	vcvt.f32.s32 v9  }
0x72: {  	v11 =	vsel vm5, v45, v11;
	v6 =	vmul.u32 $0xFFFCF23D, v6;
	v18 =	vcvt.f32.s32 v18  }
0x73: {  	v7 =	vmul.u32 $0xFFFCF281, v7;
	v5 =	vcvt.f32.s32 v5;
	v4 =	vmul.u32 $0xFFFCF209, v4  }
0x74: {  	vm0 =	vgt.s32 v12, $0x30D42;
	v17 =	vadd.s32 $0xFFFCF2BD, v12;
	v10 =	vadd.s32 v2, v10  }
0x75: {  	v8 =	vadd.s32 v2, v8;
	v55 =	vadd.s32 v1, v14;
	v13 =	vadd.s32 v2, v13  }
0x76: {  	v15 =	vmul.u32 $0xFFFCF2B7, v15;
	v12 =	vsel vm0, v17, v12;
	v9 =	vmul.u32 $0xFFFCF29F, v9  }
0x77: {  	v43 =	vadd.s32 $0xFFFCF2A9, v10;
	vm6 =	vgt.s32 v10, $0x30D56;
	v17 =	vcvt.f32.s32 v46  }
0x78: {  	vm7 =	vgt.s32 v8, $0x30D50;
	v48 =	vadd.s32 $0xFFFCF2AF, v8;
	v6 =	vadd.s32 v1, v6  }
0x79: {  	v18 =	vmul.u32 $0xFFFCF227, v18;
	v5 =	vmul.u32 $0xFFFCF221, v5;
	vm3 =	vgt.s32 v55, $0x30D96  }
0x7a: {  	s15 =	sand.u32 $0x70, s15;
	v58 =	vadd.s32 $0xFFFCF269, v55;
	vm1 =	vgt.s32 v13, $0x30D68;
	v19 =	vadd.s32 $0xFFFCF297, v13  }
0x7b: {  	s14 =	sor.u32 s15, s14;
	v10 =	vsel vm6, v43, v10;
	v8 =	vsel vm7, v48, v8;
	vm9 =	vgt.s32 v6, $0x30DC2  }
0x7c: {  	[tilespmem:s14+$0x680] =	vst v11;
	v51 =	vadd.s32 $0xFFFCF23D, v6;
	v15 =	vadd.s32 v2, v15;
	v13 =	vsel vm1, v19, v13  }
0x7d: {  	[tilespmem:s14+$0x480] =	vst v12;
	v9 =	vadd.s32 v2, v9;
	v17 =	vmul.u32 $0xFFFCF24B, v17;
	v2 =	vadd.s32 v2, v7  }
0x7e: {  	[tilespmem:s14+$0x600] =	vst v10;
	v56 =	vadd.s32 v1, v18;
	v7 =	vcvt.f32.s32 v53;
	v6 =	vsel vm9, v51, v6  }
0x7f: {  	[tilespmem:s14+$0x580] =	vst v8;
	v5 =	vadd.s32 v1, v5;
	vm2 =	vgt.s32 v9, $0x30D60;
	v44 =	vadd.s32 $0xFFFCF29F, v9  }
0x80: {  	vm4 =	vgt.s32 v15, $0x30D48;
	[tilespmem:s14+$0x780] =	vst v13;
	v52 =	vadd.s32 $0xFFFCF2B7, v15;
	v9 =	vsel vm2, v44, v9  }
0x81: {  	vm10 =	vgt.s32 v2, $0x30D7E;
	v57 =	vadd.s32 $0xFFFCF281, v2;
	v54 =	vsel vm4, v52, v15;
	[tilespmem:s14+$0x700] =	vst v9  }
0x82: {  	s13 =	sor.u32 $0x380, s13;
	vm11 =	vgt.s32 v56, $0x30DD8;
	v17 =	vadd.s32 v1, v17;
	v2 =	vsel vm10, v57, v2;
	[tilespmem:s14+$0x500] =	vst v54  }
0x83: {  	vm8 =	vgt.s32 v17, $0x30DB4;
	v50 =	vadd.s32 $0xFFFCF24B, v17;
	v9 =	vsel vm3, v58, v55;
	[tilespmem:s13+$0x480] =	vst v2  }
0x84: {  	v59 =	vadd.s32 $0xFFFCF227, v56;
	v60 =	vmul.u32 $0xFFFCF215, v7;
	v17 =	vsel vm8, v50, v17;
	[tilespmem:s14+$0x2480] =	vst v9  }
0x85: {  	vm13 =	vgt.s32 v5, $0x30DDE;
	v62 =	vadd.s32 $0xFFFCF221, v5;
	v8 =	vsel vm11, v59, v56;
	[tilespmem:s14+$0x2500] =	vst v17  }
0x86: {  	v2 =	vadd.s32 v1, v4;
	v4 =	vadd.s32 v1, v60;
	v1 =	vadd.s32 v1, v3;
	[tilespmem:s14+$0x2580] =	vst v6  }
0x87: {  	v3 =	vsel vm13, v62, v5;
	vm12 =	vgt.s32 v2, $0x30DF6;
	v61 =	vadd.s32 $0xFFFCF209, v2;
	[tilespmem:s14+$0x2600] =	vst v8  }
0x88: {  	vm15 =	vgt.s32 v1, $0x30DF0;
	v63 =	vadd.s32 $0xFFFCF20F, v1;
	[tilespmem:s14+$0x2680] =	vst v3;
	v2 =	vsel vm12, v61, v2  }
0x89: {  	s12 =	sadd.s32 $0x1, s12;
	vm14 =	vgt.s32 v4, $0x30DEA;
	v1 =	vsel vm15, v63, v1;
	[tilespmem:s14+$0x2800] =	vst v2;
	v2 =	vadd.s32 $0xFFFCF215, v4  }
0x8a: {  	p1 =	sne.s32 s12, s6;
	[tilespmem:s14+$0x2780] =	vst v1;
	v2 =	vsel vm14, v2, v4  }
.Ltmp1:
0x8b: {  	[tilespmem:s14+$0x2700] =	vst v2;
	(pc) =	sbr.rel @p1 .LBB2_1-.Ltmp1, $4  }
0x8c: {  	[hbm4b:s5+s9] =	stream.strided.scatter [tilespmem:s11], [sflag:$0x1], $0x4000, s10, s9, $0x38;
	[tilespmem:$0x4480] =	vst v63  }
0x8d: {  	_ =	swait.ge [sflag:s8], $0x4000  }
0x8e: {  	[sflag:s8] =	ssyncset.done $0x0  }
0x8f: {  	[sflag:s8] =	ssyncadd.s32 $0xFFFFC000  }
0x90: {  	_ =	sfence.sel $0x180000  }
0x91: {  	[bflag:$0x0] =	sbarrier.arrive $0xFFFF  }
0x92: {  	p0 =	sne.s32 s1, $0x0;
	_ =	strace $0x90000047  }
0x93: {  	s0 =	sadd.s32 @!p0 $0x100000, s0;
	[bflag:$0x2] =	sbarrier.arrive $0xFFFF  }
0x94: {  	[sflag:s0] =	ssyncadd.tile.s32 @!p0 $0x1;
	_ =	shalt  }
.Lfunc_end2:
_tile_overlayer_lowered:
.L_overlay_start_2:
0x95: {  	(tag) =	ssettag $0x2  }
0x96: {  	s0 =	rddreg [dreg:$0x0];
	s2 =	stileid.u32  }
0x97: {  	s1 =	rddreg [dreg:$0x1];
	p0 =	sne.s32 s2, $0x0  }
0x98: {  	s3 =	rddreg [dreg:$0x2];
	[bflag:$0x3] =	sbarrier.arrive $0xFFFF;
	s2 =	simm.s32 @!p0 $0x1C01  }
0x99: {  	[timem:s3], [sflag:s2] =	dma.local @!p0 [hbm:s0], s1  }
0x9a: {  	s0 =	simm.s32 @!p0 $0x1  }
0x9b: {  	_ =	swait.ge @!p0 [sflag:s0], s1  }
0x9c: {  	s1 =	ssub.s32 @!p0 $0x0, s1;
	[sflag:s0] =	ssyncset.done @!p0 $0x0  }
0x9d: {  	[sflag:s0] =	ssyncadd.s32 @!p0 s1  }
0x9e: {  	[bflag:$0x3] =	sbarrier.arrive $0xFFFF  }
0x9f: {  	_ =	shalt  }

</sc_bundles>
